<compile_context>
chip_gen: v7x
topology: tpu7x:2x2x1
jax: 0.10.2.dev20260603
libtpu: 0.0.44.dev20260713+nightly
codegen_flags: <defaults>
</compile_context>

<pallas_src>
import functools

import jax
import jax.numpy as jnp
from jax import lax
from jax.experimental import pallas as pl
from jax.experimental.pallas import tpu as pltpu
from jax.experimental.pallas import tpu_sc as plsc

N = 1_000_000
HALF = N // 2
NT = 16
PER_TILE = 25_088
PAD_TOT = NT * PER_TILE
SP = 500_224
ZR = SP // NT
ZHALF = ZR // 2
WB_LAST = HALF - ZR


def _sc_body(nsx_hbm, nsy_hbm, idx_hbm, out_hbm,
             idx_v, g_v, zbuf, sp_areas, sp_out, sem1, sem2, sem3):
    c = lax.axis_index("c")
    s = lax.axis_index("s")
    base = c * HALF
    dummy = HALF + s * 8

    cp0 = pltpu.async_copy(idx_hbm.at[s], idx_v, sem1)

    aoff = jnp.minimum(s * ZR, WB_LAST)
    for t in range(2):
        po = aoff + t * ZHALF
        cpx = pltpu.async_copy(nsx_hbm.at[pl.ds(base + po, ZHALF)],
                               g_v.at[pl.ds(0, ZHALF)], sem2)
        cpy = pltpu.async_copy(nsy_hbm.at[pl.ds(base + po, ZHALF)],
                               zbuf, sem3)
        cpx.wait()
        cpy.wait()

        def mloop(i, _):
            sl = pl.ds(i * 16, 16)
            g_v[sl] = g_v[sl] * zbuf[sl]
            return 0
        lax.fori_loop(0, ZHALF // 16, mloop, 0)
        pltpu.sync_copy(g_v.at[pl.ds(0, ZHALF)],
                        sp_areas.at[pl.ds(po, ZHALF)])

    def zloop(i, _):
        zbuf[pl.ds(i * 16, 16)] = jnp.zeros((16,), jnp.float32)
        return 0
    lax.fori_loop(0, ZHALF // 16, zloop, 0)
    pltpu.sync_copy(zbuf, sp_out.at[pl.ds(s * ZR, ZHALF)])
    pltpu.sync_copy(zbuf, sp_out.at[pl.ds(s * ZR + ZHALF, ZHALF)])

    cp0.wait()

    def cloop(j, _):
        for k in range(8):
            sl = pl.ds(j * 128 + k * 16, 16)
            rel = idx_v[sl] - base
            ok = (rel >= 0) & (rel < HALF)
            idx_v[sl] = jnp.where(ok, rel, dummy)
        return 0
    lax.fori_loop(0, PER_TILE // 128, cloop, 0)

    plsc.subcore_barrier()
    pltpu.async_copy(sp_areas.at[idx_v], g_v, sem2).wait()
    pltpu.sync_copy(g_v, sp_out.at[idx_v])
    plsc.subcore_barrier()

    off = jnp.minimum(s * ZR, WB_LAST)
    for t in range(2):
        pltpu.sync_copy(sp_out.at[pl.ds(off + t * ZHALF, ZHALF)], zbuf)
        pltpu.sync_copy(zbuf, out_hbm.at[pl.ds(base + off + t * ZHALF, ZHALF)])


def kernel(pos, node_size_x, node_size_y, flop_indices):
    del pos
    idxp = jnp.concatenate(
        [flop_indices, flop_indices[: PAD_TOT - flop_indices.shape[0]]]
    ).reshape(NT, PER_TILE)

    mesh = plsc.VectorSubcoreMesh(core_axis_name="c", subcore_axis_name="s")
    call = functools.partial(
        pl.kernel,
        out_type=jax.ShapeDtypeStruct((N,), jnp.float32),
        mesh=mesh,
        scratch_types=[
            pltpu.VMEM((PER_TILE,), jnp.int32),
            pltpu.VMEM((PER_TILE,), jnp.float32),
            pltpu.VMEM((ZHALF,), jnp.float32),
            pltpu.VMEM_SHARED((SP,), jnp.float32),
            pltpu.VMEM_SHARED((SP,), jnp.float32),
            pltpu.SemaphoreType.DMA,
            pltpu.SemaphoreType.DMA,
            pltpu.SemaphoreType.DMA,
        ],
    )(_sc_body)
    return call(node_size_x, node_size_y, idxp)

# --- scband reference (transcript-rebuilt; emitter-appended) ---
"""Pipeline reference for scband-ffcompatibility-43327630082123 (READ-ONLY COPY).

The authoritative reference and input builder live on the scoring server;
editing this copy changes nothing except your own understanding.
"""

import jax, jax.numpy as jnp
import numpy as np

N_NODES = 1_000_000
NUM_FLOPS = 400_000


def setup_inputs(seed: int = 0) -> dict:
    key = jax.random.key(seed)
    k1, k2, k3, k4 = jax.random.split(key, 4)
    pos = jax.random.uniform(k1, (2 * N_NODES,), dtype=jnp.float32)
    node_size_x = jax.random.uniform(k2, (N_NODES,), dtype=jnp.float32)
    node_size_y = jax.random.uniform(k3, (N_NODES,), dtype=jnp.float32)
    flop_indices = jax.random.randint(k4, (NUM_FLOPS,), 0, N_NODES, dtype=jnp.int32)
    return {
        "pos": pos,
        "node_size_x": node_size_x,
        "node_size_y": node_size_y,
        "flop_indices": flop_indices,
    }


def reference(pos, node_size_x, node_size_y, flop_indices):
    # FFCompatibility.forward with half_ctrl_mode == 0 and num_bins_ck == 1
    # (early-return branch): scatter-overwrite flop areas into a zero buffer.
    resource_areas = jnp.zeros(node_size_x.shape[0], dtype=pos.dtype)
    areas = node_size_x * node_size_y
    idx = flop_indices.astype(jnp.int32)
    resource_areas = resource_areas.at[idx].set(areas[idx])
    return resource_areas

if __name__ == "__main__":
    import jax
    _d = setup_inputs()
    print(jax.jit(kernel)(*tuple(_d.values())))

</pallas_src>

<mosaic_0001>
#map = affine_map<(d0, d1) -> (0)>
#map1 = affine_map<(d0, d1) -> (0, 0)>
module attributes {stable_mosaic.version = 14 : i64} {
  func.func @_sc_body(%arg0: i32, %arg1: i32, %arg2: memref<1000000xf32, #tpu.memory_space<hbm>>, %arg3: memref<1000000xf32, #tpu.memory_space<hbm>>, %arg4: memref<16x25088xi32, #tpu.memory_space<hbm>>, %arg5: memref<1000000xf32, #tpu.memory_space<hbm>>, %arg6: memref<25088xi32, #tpu.memory_space<vmem>>, %arg7: memref<25088xf32, #tpu.memory_space<vmem>>, %arg8: memref<15632xf32, #tpu.memory_space<vmem>>, %arg9: memref<500224xf32, #tpu.memory_space<vmem_shared>>, %arg10: memref<500224xf32, #tpu.memory_space<vmem_shared>>, %arg11: memref<!tpu.dma_semaphore, #tpu.memory_space<semaphore_mem>>, %arg12: memref<!tpu.dma_semaphore, #tpu.memory_space<semaphore_mem>>, %arg13: memref<!tpu.dma_semaphore, #tpu.memory_space<semaphore_mem>>) attributes {dimension_semantics = [#tpu.dimension_semantics<core_parallel>, #tpu.dimension_semantics<subcore_parallel>], iteration_bounds = array<i64: 2, 16>, scalar_prefetch = 0 : i64, scratch_operands = 8 : i64, tpu.core_type = #tpu.core_type<sc_vector_subcore>, window_params = [{transform_indices = #map}, {transform_indices = #map}, {transform_indices = #map1}, {transform_indices = #map}]} {
    %mul3A = arith.constant 500000 : i32
    %mul3A_0 = arith.muli %arg0, %mul3A : i32
    %mul3A_1 = arith.constant 8 : i32
    %mul3A_2 = arith.muli %arg1, %mul3A_1 : i32
    %add3A = arith.constant 500000 : i32
    %add3A_3 = arith.addi %add3A, %mul3A_2 : i32
    %dma_start3A = arith.constant 0 : i32
    %dma_start3A_4 = tpu.memref_slice %arg4[%arg1, %dma_start3A] : memref<16x25088xi32, #tpu.memory_space<hbm>> -> memref<1x25088xi32, #tpu.memory_space<hbm>>
    %dma_start3A_5 = tpu.memref_squeeze %dma_start3A_4 : memref<1x25088xi32, #tpu.memory_space<hbm>> -> memref<25088xi32, #tpu.memory_space<hbm>>
    %dma_start3A_6 = arith.constant 0 : i32
    %dma_start3A_7 = tpu.memref_slice %arg4[%arg1, %dma_start3A_6] : memref<16x25088xi32, #tpu.memory_space<hbm>> -> memref<1x25088xi32, #tpu.memory_space<hbm>>
    %dma_start3A_8 = tpu.memref_squeeze %dma_start3A_7 : memref<1x25088xi32, #tpu.memory_space<hbm>> -> memref<25088xi32, #tpu.memory_space<hbm>>
    tpu.enqueue_dma source(%dma_start3A_8 : memref<25088xi32, #tpu.memory_space<hbm>>) target(%arg6 : memref<25088xi32, #tpu.memory_space<vmem>>) target_semaphore(%arg11 : memref<!tpu.dma_semaphore, #tpu.memory_space<semaphore_mem>>)
    %mul3A_9 = arith.constant 31264 : i32
    %mul3A_10 = arith.muli %arg1, %mul3A_9 : i32
    %min3A = arith.constant 468736 : i32
    %min3A_11 = arith.minsi %mul3A_10, %min3A : i32
    %add3A_12 = arith.constant 0 : i32
    %add3A_13 = arith.addi %min3A_11, %add3A_12 : i32
    %add3A_14 = arith.addi %mul3A_0, %add3A_13 : i32
    %dma_start3A_15 = arith.constant 0 : i32
    %dma_start3A_16 = tpu.memref_slice %arg7[%dma_start3A_15] : memref<25088xf32, #tpu.memory_space<vmem>> -> memref<15632xf32, #tpu.memory_space<vmem>>
    %dma_start3A_17 = tpu.memref_slice %arg2[%add3A_14] : memref<1000000xf32, #tpu.memory_space<hbm>> -> memref<15632xf32, #tpu.memory_space<hbm>>
    %dma_start3A_18 = arith.constant 0 : i32
    %dma_start3A_19 = tpu.memref_slice %arg7[%dma_start3A_18] : memref<25088xf32, #tpu.memory_space<vmem>> -> memref<15632xf32, #tpu.memory_space<vmem>>
    %dma_start3A_20 = tpu.memref_slice %arg2[%add3A_14] : memref<1000000xf32, #tpu.memory_space<hbm>> -> memref<15632xf32, #tpu.memory_space<hbm>>
    tpu.enqueue_dma source(%dma_start3A_20 : memref<15632xf32, #tpu.memory_space<hbm>>) target(%dma_start3A_19 : memref<15632xf32, #tpu.memory_space<vmem>>) target_semaphore(%arg12 : memref<!tpu.dma_semaphore, #tpu.memory_space<semaphore_mem>>)
    %add3A_21 = arith.addi %mul3A_0, %add3A_13 : i32
    %dma_start3A_22 = tpu.memref_slice %arg3[%add3A_21] : memref<1000000xf32, #tpu.memory_space<hbm>> -> memref<15632xf32, #tpu.memory_space<hbm>>
    %dma_start3A_23 = tpu.memref_slice %arg3[%add3A_21] : memref<1000000xf32, #tpu.memory_space<hbm>> -> memref<15632xf32, #tpu.memory_space<hbm>>
    tpu.enqueue_dma source(%dma_start3A_23 : memref<15632xf32, #tpu.memory_space<hbm>>) target(%arg8 : memref<15632xf32, #tpu.memory_space<vmem>>) target_semaphore(%arg13 : memref<!tpu.dma_semaphore, #tpu.memory_space<semaphore_mem>>)
    %dma_wait3A = arith.constant 0 : i32
    %dma_wait3A_24 = tpu.memref_slice %arg7[%dma_wait3A] : memref<25088xf32, #tpu.memory_space<vmem>> -> memref<15632xf32, #tpu.memory_space<vmem>>
    %dma_wait3A_25 = tpu.memref_slice %arg2[%add3A_14] : memref<1000000xf32, #tpu.memory_space<hbm>> -> memref<15632xf32, #tpu.memory_space<hbm>>
    %dma_wait3A_26 = arith.constant 0 : i32
    %dma_wait3A_27 = tpu.memref_slice %arg7[%dma_wait3A_26] : memref<25088xf32, #tpu.memory_space<vmem>> -> memref<15632xf32, #tpu.memory_space<vmem>>
    %dma_wait3A_28 = tpu.memref_slice %arg2[%add3A_14] : memref<1000000xf32, #tpu.memory_space<hbm>> -> memref<15632xf32, #tpu.memory_space<hbm>>
    tpu.wait_dma2 semaphore(%arg12 : memref<!tpu.dma_semaphore, #tpu.memory_space<semaphore_mem>>) src(%dma_wait3A_28 : memref<15632xf32, #tpu.memory_space<hbm>>) dst(%dma_wait3A_27 : memref<15632xf32, #tpu.memory_space<vmem>>)
    %dma_wait3A_29 = tpu.memref_slice %arg3[%add3A_21] : memref<1000000xf32, #tpu.memory_space<hbm>> -> memref<15632xf32, #tpu.memory_space<hbm>>
    %dma_wait3A_30 = tpu.memref_slice %arg3[%add3A_21] : memref<1000000xf32, #tpu.memory_space<hbm>> -> memref<15632xf32, #tpu.memory_space<hbm>>
    tpu.wait_dma2 semaphore(%arg13 : memref<!tpu.dma_semaphore, #tpu.memory_space<semaphore_mem>>) src(%dma_wait3A_30 : memref<15632xf32, #tpu.memory_space<hbm>>) dst(%arg8 : memref<15632xf32, #tpu.memory_space<vmem>>)
    %scan3A = arith.constant 0 : i32
    %scan3A_31 = arith.constant 0 : i32
    %scan3A_32 = arith.constant 977 : i32
    %scan3A_33 = arith.addi %scan3A_31, %scan3A_32 : i32
    %scan3A_34 = arith.constant 1 : i32
    %scan3A_35 = scf.for %scan3A_109 = %scan3A_31 to %scan3A_33 step %scan3A_34 iter_args(%scan3A_110 = %scan3A) -> (i32)  : i32 {
      %mul3A_111 = arith.constant 16 : i32
      %mul3A_112 = arith.muli %scan3A_109, %mul3A_111 : i32
      %get3A = arith.index_cast %mul3A_112 : i32 to index
      %get3A_113 = tpu.vector_load %arg7[%get3A] {strides = array<i32>} : memref<25088xf32, #tpu.memory_space<vmem>>, vector<16xf32>,
      %get3A_114 = vector.shape_cast %get3A_113 : vector<16xf32> to vector<16xf32>
      %get3A_115 = arith.index_cast %mul3A_112 : i32 to index
      %get3A_116 = tpu.vector_load %arg8[%get3A_115] {strides = array<i32>} : memref<15632xf32, #tpu.memory_space<vmem>>, vector<16xf32>,
      %get3A_117 = vector.shape_cast %get3A_116 : vector<16xf32> to vector<16xf32>
      %mul3A_118 = arith.mulf %get3A_114, %get3A_117 : vector<16xf32>
      %swap3A = arith.index_cast %mul3A_112 : i32 to index
      %swap3A_119 = tpu.vector_load %arg7[%swap3A] {strides = array<i32>} : memref<25088xf32, #tpu.memory_space<vmem>>, vector<16xf32>,
      %swap3A_120 = vector.shape_cast %swap3A_119 : vector<16xf32> to vector<16xf32>
      %swap3A_121 = vector.shape_cast %mul3A_118 : vector<16xf32> to vector<16xf32>
      tpu.vector_store %arg7[%swap3A], %swap3A_121 {strides = array<i32>} : memref<25088xf32, #tpu.memory_space<vmem>>, vector<16xf32>,
      %scan3A_122 = arith.constant 0 : i32
      scf.yield %scan3A_122 : i32
    }
    %scan3A_36 = arith.constant 977 : i32
    "tpu.region"() ({
      %run_scoped3A = tpu.sem_alloc : memref<!tpu.dma_semaphore, #tpu.memory_space<semaphore_mem>>
      %dma_start3A_109 = arith.constant 0 : i32
      %dma_start3A_110 = tpu.memref_slice %arg7[%dma_start3A_109] : memref<25088xf32, #tpu.memory_space<vmem>> -> memref<15632xf32, #tpu.memory_space<vmem>>
      %dma_start3A_111 = tpu.memref_slice %arg9[%add3A_13] : memref<500224xf32, #tpu.memory_space<vmem_shared>> -> memref<15632xf32, #tpu.memory_space<vmem_shared>>
      %dma_start3A_112 = tpu.memref_slice %arg9[%add3A_13] : memref<500224xf32, #tpu.memory_space<vmem_shared>> -> memref<15632xf32, #tpu.memory_space<vmem_shared>>
      %dma_start3A_113 = arith.constant 0 : i32
      %dma_start3A_114 = tpu.memref_slice %arg7[%dma_start3A_113] : memref<25088xf32, #tpu.memory_space<vmem>> -> memref<15632xf32, #tpu.memory_space<vmem>>
      tpu.enqueue_dma source(%dma_start3A_114 : memref<15632xf32, #tpu.memory_space<vmem>>) target(%dma_start3A_112 : memref<15632xf32, #tpu.memory_space<vmem_shared>>) target_semaphore(%run_scoped3A : memref<!tpu.dma_semaphore, #tpu.memory_space<semaphore_mem>>)
      %dma_wait3A_115 = arith.constant 0 : i32
      %dma_wait3A_116 = tpu.memref_slice %arg7[%dma_wait3A_115] : memref<25088xf32, #tpu.memory_space<vmem>> -> memref<15632xf32, #tpu.memory_space<vmem>>
      %dma_wait3A_117 = tpu.memref_slice %arg9[%add3A_13] : memref<500224xf32, #tpu.memory_space<vmem_shared>> -> memref<15632xf32, #tpu.memory_space<vmem_shared>>
      %dma_wait3A_118 = tpu.memref_slice %arg9[%add3A_13] : memref<500224xf32, #tpu.memory_space<vmem_shared>> -> memref<15632xf32, #tpu.memory_space<vmem_shared>>
      %dma_wait3A_119 = arith.constant 0 : i32
      %dma_wait3A_120 = tpu.memref_slice %arg7[%dma_wait3A_119] : memref<25088xf32, #tpu.memory_space<vmem>> -> memref<15632xf32, #tpu.memory_space<vmem>>
      tpu.wait_dma2 semaphore(%run_scoped3A : memref<!tpu.dma_semaphore, #tpu.memory_space<semaphore_mem>>) src(%dma_wait3A_120 : memref<15632xf32, #tpu.memory_space<vmem>>) dst(%dma_wait3A_118 : memref<15632xf32, #tpu.memory_space<vmem_shared>>)
      tpu.yield
    }) : () -> ()
    %add3A_37 = arith.constant 15632 : i32
    %add3A_38 = arith.addi %min3A_11, %add3A_37 : i32
    %add3A_39 = arith.addi %mul3A_0, %add3A_38 : i32
    %dma_start3A_40 = arith.constant 0 : i32
    %dma_start3A_41 = tpu.memref_slice %arg7[%dma_start3A_40] : memref<25088xf32, #tpu.memory_space<vmem>> -> memref<15632xf32, #tpu.memory_space<vmem>>
    %dma_start3A_42 = tpu.memref_slice %arg2[%add3A_39] : memref<1000000xf32, #tpu.memory_space<hbm>> -> memref<15632xf32, #tpu.memory_space<hbm>>
    %dma_start3A_43 = arith.constant 0 : i32
    %dma_start3A_44 = tpu.memref_slice %arg7[%dma_start3A_43] : memref<25088xf32, #tpu.memory_space<vmem>> -> memref<15632xf32, #tpu.memory_space<vmem>>
    %dma_start3A_45 = tpu.memref_slice %arg2[%add3A_39] : memref<1000000xf32, #tpu.memory_space<hbm>> -> memref<15632xf32, #tpu.memory_space<hbm>>
    tpu.enqueue_dma source(%dma_start3A_45 : memref<15632xf32, #tpu.memory_space<hbm>>) target(%dma_start3A_44 : memref<15632xf32, #tpu.memory_space<vmem>>) target_semaphore(%arg12 : memref<!tpu.dma_semaphore, #tpu.memory_space<semaphore_mem>>)
    %add3A_46 = arith.addi %mul3A_0, %add3A_38 : i32
    %dma_start3A_47 = tpu.memref_slice %arg3[%add3A_46] : memref<1000000xf32, #tpu.memory_space<hbm>> -> memref<15632xf32, #tpu.memory_space<hbm>>
    %dma_start3A_48 = tpu.memref_slice %arg3[%add3A_46] : memref<1000000xf32, #tpu.memory_space<hbm>> -> memref<15632xf32, #tpu.memory_space<hbm>>
    tpu.enqueue_dma source(%dma_start3A_48 : memref<15632xf32, #tpu.memory_space<hbm>>) target(%arg8 : memref<15632xf32, #tpu.memory_space<vmem>>) target_semaphore(%arg13 : memref<!tpu.dma_semaphore, #tpu.memory_space<semaphore_mem>>)
    %dma_wait3A_49 = arith.constant 0 : i32
    %dma_wait3A_50 = tpu.memref_slice %arg7[%dma_wait3A_49] : memref<25088xf32, #tpu.memory_space<vmem>> -> memref<15632xf32, #tpu.memory_space<vmem>>
    %dma_wait3A_51 = tpu.memref_slice %arg2[%add3A_39] : memref<1000000xf32, #tpu.memory_space<hbm>> -> memref<15632xf32, #tpu.memory_space<hbm>>
    %dma_wait3A_52 = arith.constant 0 : i32
    %dma_wait3A_53 = tpu.memref_slice %arg7[%dma_wait3A_52] : memref<25088xf32, #tpu.memory_space<vmem>> -> memref<15632xf32, #tpu.memory_space<vmem>>
    %dma_wait3A_54 = tpu.memref_slice %arg2[%add3A_39] : memref<1000000xf32, #tpu.memory_space<hbm>> -> memref<15632xf32, #tpu.memory_space<hbm>>
    tpu.wait_dma2 semaphore(%arg12 : memref<!tpu.dma_semaphore, #tpu.memory_space<semaphore_mem>>) src(%dma_wait3A_54 : memref<15632xf32, #tpu.memory_space<hbm>>) dst(%dma_wait3A_53 : memref<15632xf32, #tpu.memory_space<vmem>>)
    %dma_wait3A_55 = tpu.memref_slice %arg3[%add3A_46] : memref<1000000xf32, #tpu.memory_space<hbm>> -> memref<15632xf32, #tpu.memory_space<hbm>>
    %dma_wait3A_56 = tpu.memref_slice %arg3[%add3A_46] : memref<1000000xf32, #tpu.memory_space<hbm>> -> memref<15632xf32, #tpu.memory_space<hbm>>
    tpu.wait_dma2 semaphore(%arg13 : memref<!tpu.dma_semaphore, #tpu.memory_space<semaphore_mem>>) src(%dma_wait3A_56 : memref<15632xf32, #tpu.memory_space<hbm>>) dst(%arg8 : memref<15632xf32, #tpu.memory_space<vmem>>)
    %scan3A_57 = arith.constant 0 : i32
    %scan3A_58 = arith.constant 0 : i32
    %scan3A_59 = arith.constant 977 : i32
    %scan3A_60 = arith.addi %scan3A_58, %scan3A_59 : i32
    %scan3A_61 = arith.constant 1 : i32
    %scan3A_62 = scf.for %scan3A_109 = %scan3A_58 to %scan3A_60 step %scan3A_61 iter_args(%scan3A_110 = %scan3A_57) -> (i32)  : i32 {
      %mul3A_111 = arith.constant 16 : i32
      %mul3A_112 = arith.muli %scan3A_109, %mul3A_111 : i32
      %get3A = arith.index_cast %mul3A_112 : i32 to index
      %get3A_113 = tpu.vector_load %arg7[%get3A] {strides = array<i32>} : memref<25088xf32, #tpu.memory_space<vmem>>, vector<16xf32>,
      %get3A_114 = vector.shape_cast %get3A_113 : vector<16xf32> to vector<16xf32>
      %get3A_115 = arith.index_cast %mul3A_112 : i32 to index
      %get3A_116 = tpu.vector_load %arg8[%get3A_115] {strides = array<i32>} : memref<15632xf32, #tpu.memory_space<vmem>>, vector<16xf32>,
      %get3A_117 = vector.shape_cast %get3A_116 : vector<16xf32> to vector<16xf32>
      %mul3A_118 = arith.mulf %get3A_114, %get3A_117 : vector<16xf32>
      %swap3A = arith.index_cast %mul3A_112 : i32 to index
      %swap3A_119 = tpu.vector_load %arg7[%swap3A] {strides = array<i32>} : memref<25088xf32, #tpu.memory_space<vmem>>, vector<16xf32>,
      %swap3A_120 = vector.shape_cast %swap3A_119 : vector<16xf32> to vector<16xf32>
      %swap3A_121 = vector.shape_cast %mul3A_118 : vector<16xf32> to vector<16xf32>
      tpu.vector_store %arg7[%swap3A], %swap3A_121 {strides = array<i32>} : memref<25088xf32, #tpu.memory_space<vmem>>, vector<16xf32>,
      %scan3A_122 = arith.constant 0 : i32
      scf.yield %scan3A_122 : i32
    }
    %scan3A_63 = arith.constant 977 : i32
    "tpu.region"() ({
      %run_scoped3A = tpu.sem_alloc : memref<!tpu.dma_semaphore, #tpu.memory_space<semaphore_mem>>
      %dma_start3A_109 = arith.constant 0 : i32
      %dma_start3A_110 = tpu.memref_slice %arg7[%dma_start3A_109] : memref<25088xf32, #tpu.memory_space<vmem>> -> memref<15632xf32, #tpu.memory_space<vmem>>
      %dma_start3A_111 = tpu.memref_slice %arg9[%add3A_38] : memref<500224xf32, #tpu.memory_space<vmem_shared>> -> memref<15632xf32, #tpu.memory_space<vmem_shared>>
      %dma_start3A_112 = tpu.memref_slice %arg9[%add3A_38] : memref<500224xf32, #tpu.memory_space<vmem_shared>> -> memref<15632xf32, #tpu.memory_space<vmem_shared>>
      %dma_start3A_113 = arith.constant 0 : i32
      %dma_start3A_114 = tpu.memref_slice %arg7[%dma_start3A_113] : memref<25088xf32, #tpu.memory_space<vmem>> -> memref<15632xf32, #tpu.memory_space<vmem>>
      tpu.enqueue_dma source(%dma_start3A_114 : memref<15632xf32, #tpu.memory_space<vmem>>) target(%dma_start3A_112 : memref<15632xf32, #tpu.memory_space<vmem_shared>>) target_semaphore(%run_scoped3A : memref<!tpu.dma_semaphore, #tpu.memory_space<semaphore_mem>>)
      %dma_wait3A_115 = arith.constant 0 : i32
      %dma_wait3A_116 = tpu.memref_slice %arg7[%dma_wait3A_115] : memref<25088xf32, #tpu.memory_space<vmem>> -> memref<15632xf32, #tpu.memory_space<vmem>>
      %dma_wait3A_117 = tpu.memref_slice %arg9[%add3A_38] : memref<500224xf32, #tpu.memory_space<vmem_shared>> -> memref<15632xf32, #tpu.memory_space<vmem_shared>>
      %dma_wait3A_118 = tpu.memref_slice %arg9[%add3A_38] : memref<500224xf32, #tpu.memory_space<vmem_shared>> -> memref<15632xf32, #tpu.memory_space<vmem_shared>>
      %dma_wait3A_119 = arith.constant 0 : i32
      %dma_wait3A_120 = tpu.memref_slice %arg7[%dma_wait3A_119] : memref<25088xf32, #tpu.memory_space<vmem>> -> memref<15632xf32, #tpu.memory_space<vmem>>
      tpu.wait_dma2 semaphore(%run_scoped3A : memref<!tpu.dma_semaphore, #tpu.memory_space<semaphore_mem>>) src(%dma_wait3A_120 : memref<15632xf32, #tpu.memory_space<vmem>>) dst(%dma_wait3A_118 : memref<15632xf32, #tpu.memory_space<vmem_shared>>)
      tpu.yield
    }) : () -> ()
    %scan3A_64 = arith.constant 0 : i32
    %scan3A_65 = arith.constant 0 : i32
    %scan3A_66 = arith.constant 977 : i32
    %scan3A_67 = arith.addi %scan3A_65, %scan3A_66 : i32
    %scan3A_68 = arith.constant 1 : i32
    %scan3A_69 = scf.for %scan3A_109 = %scan3A_65 to %scan3A_67 step %scan3A_68 iter_args(%scan3A_110 = %scan3A_64) -> (i32)  : i32 {
      %broadcast_in_dim3A = arith.constant 0.000000e+00 : f32
      %broadcast_in_dim3A_111 = vector.broadcast %broadcast_in_dim3A : f32 to vector<16xf32>
      %mul3A_112 = arith.constant 16 : i32
      %mul3A_113 = arith.muli %scan3A_109, %mul3A_112 : i32
      %swap3A = arith.index_cast %mul3A_113 : i32 to index
      %swap3A_114 = tpu.vector_load %arg8[%swap3A] {strides = array<i32>} : memref<15632xf32, #tpu.memory_space<vmem>>, vector<16xf32>,
      %swap3A_115 = vector.shape_cast %swap3A_114 : vector<16xf32> to vector<16xf32>
      %swap3A_116 = vector.shape_cast %broadcast_in_dim3A_111 : vector<16xf32> to vector<16xf32>
      tpu.vector_store %arg8[%swap3A], %swap3A_116 {strides = array<i32>} : memref<15632xf32, #tpu.memory_space<vmem>>, vector<16xf32>,
      %scan3A_117 = arith.constant 0 : i32
      scf.yield %scan3A_117 : i32
    }
    %scan3A_70 = arith.constant 977 : i32
    %mul3A_71 = arith.constant 31264 : i32
    %mul3A_72 = arith.muli %arg1, %mul3A_71 : i32
    "tpu.region"() ({
      %run_scoped3A = tpu.sem_alloc : memref<!tpu.dma_semaphore, #tpu.memory_space<semaphore_mem>>
      %dma_start3A_109 = tpu.memref_slice %arg10[%mul3A_72] : memref<500224xf32, #tpu.memory_space<vmem_shared>> -> memref<15632xf32, #tpu.memory_space<vmem_shared>>
      %dma_start3A_110 = tpu.memref_slice %arg10[%mul3A_72] : memref<500224xf32, #tpu.memory_space<vmem_shared>> -> memref<15632xf32, #tpu.memory_space<vmem_shared>>
      tpu.enqueue_dma source(%arg8 : memref<15632xf32, #tpu.memory_space<vmem>>) target(%dma_start3A_110 : memref<15632xf32, #tpu.memory_space<vmem_shared>>) target_semaphore(%run_scoped3A : memref<!tpu.dma_semaphore, #tpu.memory_space<semaphore_mem>>)
      %dma_wait3A_111 = tpu.memref_slice %arg10[%mul3A_72] : memref<500224xf32, #tpu.memory_space<vmem_shared>> -> memref<15632xf32, #tpu.memory_space<vmem_shared>>
      %dma_wait3A_112 = tpu.memref_slice %arg10[%mul3A_72] : memref<500224xf32, #tpu.memory_space<vmem_shared>> -> memref<15632xf32, #tpu.memory_space<vmem_shared>>
      tpu.wait_dma2 semaphore(%run_scoped3A : memref<!tpu.dma_semaphore, #tpu.memory_space<semaphore_mem>>) src(%arg8 : memref<15632xf32, #tpu.memory_space<vmem>>) dst(%dma_wait3A_112 : memref<15632xf32, #tpu.memory_space<vmem_shared>>)
      tpu.yield
    }) : () -> ()
    %mul3A_73 = arith.constant 31264 : i32
    %mul3A_74 = arith.muli %arg1, %mul3A_73 : i32
    %add3A_75 = arith.constant 15632 : i32
    %add3A_76 = arith.addi %mul3A_74, %add3A_75 : i32
    "tpu.region"() ({
      %run_scoped3A = tpu.sem_alloc : memref<!tpu.dma_semaphore, #tpu.memory_space<semaphore_mem>>
      %dma_start3A_109 = tpu.memref_slice %arg10[%add3A_76] : memref<500224xf32, #tpu.memory_space<vmem_shared>> -> memref<15632xf32, #tpu.memory_space<vmem_shared>>
      %dma_start3A_110 = tpu.memref_slice %arg10[%add3A_76] : memref<500224xf32, #tpu.memory_space<vmem_shared>> -> memref<15632xf32, #tpu.memory_space<vmem_shared>>
      tpu.enqueue_dma source(%arg8 : memref<15632xf32, #tpu.memory_space<vmem>>) target(%dma_start3A_110 : memref<15632xf32, #tpu.memory_space<vmem_shared>>) target_semaphore(%run_scoped3A : memref<!tpu.dma_semaphore, #tpu.memory_space<semaphore_mem>>)
      %dma_wait3A_111 = tpu.memref_slice %arg10[%add3A_76] : memref<500224xf32, #tpu.memory_space<vmem_shared>> -> memref<15632xf32, #tpu.memory_space<vmem_shared>>
      %dma_wait3A_112 = tpu.memref_slice %arg10[%add3A_76] : memref<500224xf32, #tpu.memory_space<vmem_shared>> -> memref<15632xf32, #tpu.memory_space<vmem_shared>>
      tpu.wait_dma2 semaphore(%run_scoped3A : memref<!tpu.dma_semaphore, #tpu.memory_space<semaphore_mem>>) src(%arg8 : memref<15632xf32, #tpu.memory_space<vmem>>) dst(%dma_wait3A_112 : memref<15632xf32, #tpu.memory_space<vmem_shared>>)
      tpu.yield
    }) : () -> ()
    %dma_wait3A_77 = arith.constant 0 : i32
    %dma_wait3A_78 = tpu.memref_slice %arg4[%arg1, %dma_wait3A_77] : memref<16x25088xi32, #tpu.memory_space<hbm>> -> memref<1x25088xi32, #tpu.memory_space<hbm>>
    %dma_wait3A_79 = tpu.memref_squeeze %dma_wait3A_78 : memref<1x25088xi32, #tpu.memory_space<hbm>> -> memref<25088xi32, #tpu.memory_space<hbm>>
    %dma_wait3A_80 = arith.constant 0 : i32
    %dma_wait3A_81 = tpu.memref_slice %arg4[%arg1, %dma_wait3A_80] : memref<16x25088xi32, #tpu.memory_space<hbm>> -> memref<1x25088xi32, #tpu.memory_space<hbm>>
    %dma_wait3A_82 = tpu.memref_squeeze %dma_wait3A_81 : memref<1x25088xi32, #tpu.memory_space<hbm>> -> memref<25088xi32, #tpu.memory_space<hbm>>
    tpu.wait_dma2 semaphore(%arg11 : memref<!tpu.dma_semaphore, #tpu.memory_space<semaphore_mem>>) src(%dma_wait3A_82 : memref<25088xi32, #tpu.memory_space<hbm>>) dst(%arg6 : memref<25088xi32, #tpu.memory_space<vmem>>)
    %scan3A_83 = arith.constant 0 : i32
    %scan3A_84 = arith.constant 0 : i32
    %scan3A_85 = arith.constant 196 : i32
    %scan3A_86 = arith.addi %scan3A_84, %scan3A_85 : i32
    %scan3A_87 = arith.constant 1 : i32
    %scan3A_88 = scf.for %scan3A_109 = %scan3A_84 to %scan3A_86 step %scan3A_87 iter_args(%scan3A_110 = %scan3A_83) -> (i32)  : i32 {
      %mul3A_111 = arith.constant 128 : i32
      %mul3A_112 = arith.muli %scan3A_109, %mul3A_111 : i32
      %add3A_113 = arith.constant 0 : i32
      %add3A_114 = arith.addi %mul3A_112, %add3A_113 : i32
      %get3A = arith.index_cast %add3A_114 : i32 to index
      %get3A_115 = tpu.vector_load %arg6[%get3A] {strides = array<i32>} : memref<25088xi32, #tpu.memory_space<vmem>>, vector<16xi32>,
      %get3A_116 = vector.shape_cast %get3A_115 : vector<16xi32> to vector<16xi32>
      %sub3A = vector.broadcast %mul3A_0 : i32 to vector<16xi32>
      %sub3A_117 = arith.subi %get3A_116, %sub3A : vector<16xi32>
      %ge3A = arith.constant 0 : i32
      %ge3A_118 = vector.broadcast %ge3A : i32 to vector<16xi32>
      %ge3A_119 = arith.cmpi sge, %sub3A_117, %ge3A_118 : vector<16xi32>
      %lt3A = arith.constant 500000 : i32
      %lt3A_120 = vector.broadcast %lt3A : i32 to vector<16xi32>
      %lt3A_121 = arith.cmpi slt, %sub3A_117, %lt3A_120 : vector<16xi32>
      %and3A = arith.andi %ge3A_119, %lt3A_121 : vector<16xi1>
      %broadcast_in_dim3A = vector.broadcast %add3A_3 : i32 to vector<16xi32>
      %select_n3A = arith.select %and3A, %sub3A_117, %broadcast_in_dim3A : vector<16xi1>, vector<16xi32>
      %swap3A = arith.index_cast %add3A_114 : i32 to index
      %swap3A_122 = tpu.vector_load %arg6[%swap3A] {strides = array<i32>} : memref<25088xi32, #tpu.memory_space<vmem>>, vector<16xi32>,
      %swap3A_123 = vector.shape_cast %swap3A_122 : vector<16xi32> to vector<16xi32>
      %swap3A_124 = vector.shape_cast %select_n3A : vector<16xi32> to vector<16xi32>
      tpu.vector_store %arg6[%swap3A], %swap3A_124 {strides = array<i32>} : memref<25088xi32, #tpu.memory_space<vmem>>, vector<16xi32>,
      %mul3A_125 = arith.constant 128 : i32
      %mul3A_126 = arith.muli %scan3A_109, %mul3A_125 : i32
      %add3A_127 = arith.constant 16 : i32
      %add3A_128 = arith.addi %mul3A_126, %add3A_127 : i32
      %get3A_129 = arith.index_cast %add3A_128 : i32 to index
      %get3A_130 = tpu.vector_load %arg6[%get3A_129] {strides = array<i32>} : memref<25088xi32, #tpu.memory_space<vmem>>, vector<16xi32>,
      %get3A_131 = vector.shape_cast %get3A_130 : vector<16xi32> to vector<16xi32>
      %sub3A_132 = vector.broadcast %mul3A_0 : i32 to vector<16xi32>
      %sub3A_133 = arith.subi %get3A_131, %sub3A_132 : vector<16xi32>
      %ge3A_134 = arith.constant 0 : i32
      %ge3A_135 = vector.broadcast %ge3A_134 : i32 to vector<16xi32>
      %ge3A_136 = arith.cmpi sge, %sub3A_133, %ge3A_135 : vector<16xi32>
      %lt3A_137 = arith.constant 500000 : i32
      %lt3A_138 = vector.broadcast %lt3A_137 : i32 to vector<16xi32>
      %lt3A_139 = arith.cmpi slt, %sub3A_133, %lt3A_138 : vector<16xi32>
      %and3A_140 = arith.andi %ge3A_136, %lt3A_139 : vector<16xi1>
      %broadcast_in_dim3A_141 = vector.broadcast %add3A_3 : i32 to vector<16xi32>
      %select_n3A_142 = arith.select %and3A_140, %sub3A_133, %broadcast_in_dim3A_141 : vector<16xi1>, vector<16xi32>
      %swap3A_143 = arith.index_cast %add3A_128 : i32 to index
      %swap3A_144 = tpu.vector_load %arg6[%swap3A_143] {strides = array<i32>} : memref<25088xi32, #tpu.memory_space<vmem>>, vector<16xi32>,
      %swap3A_145 = vector.shape_cast %swap3A_144 : vector<16xi32> to vector<16xi32>
      %swap3A_146 = vector.shape_cast %select_n3A_142 : vector<16xi32> to vector<16xi32>
      tpu.vector_store %arg6[%swap3A_143], %swap3A_146 {strides = array<i32>} : memref<25088xi32, #tpu.memory_space<vmem>>, vector<16xi32>,
      %mul3A_147 = arith.constant 128 : i32
      %mul3A_148 = arith.muli %scan3A_109, %mul3A_147 : i32
      %add3A_149 = arith.constant 32 : i32
      %add3A_150 = arith.addi %mul3A_148, %add3A_149 : i32
      %get3A_151 = arith.index_cast %add3A_150 : i32 to index
      %get3A_152 = tpu.vector_load %arg6[%get3A_151] {strides = array<i32>} : memref<25088xi32, #tpu.memory_space<vmem>>, vector<16xi32>,
      %get3A_153 = vector.shape_cast %get3A_152 : vector<16xi32> to vector<16xi32>
      %sub3A_154 = vector.broadcast %mul3A_0 : i32 to vector<16xi32>
      %sub3A_155 = arith.subi %get3A_153, %sub3A_154 : vector<16xi32>
      %ge3A_156 = arith.constant 0 : i32
      %ge3A_157 = vector.broadcast %ge3A_156 : i32 to vector<16xi32>
      %ge3A_158 = arith.cmpi sge, %sub3A_155, %ge3A_157 : vector<16xi32>
      %lt3A_159 = arith.constant 500000 : i32
      %lt3A_160 = vector.broadcast %lt3A_159 : i32 to vector<16xi32>
      %lt3A_161 = arith.cmpi slt, %sub3A_155, %lt3A_160 : vector<16xi32>
      %and3A_162 = arith.andi %ge3A_158, %lt3A_161 : vector<16xi1>
      %broadcast_in_dim3A_163 = vector.broadcast %add3A_3 : i32 to vector<16xi32>
      %select_n3A_164 = arith.select %and3A_162, %sub3A_155, %broadcast_in_dim3A_163 : vector<16xi1>, vector<16xi32>
      %swap3A_165 = arith.index_cast %add3A_150 : i32 to index
      %swap3A_166 = tpu.vector_load %arg6[%swap3A_165] {strides = array<i32>} : memref<25088xi32, #tpu.memory_space<vmem>>, vector<16xi32>,
      %swap3A_167 = vector.shape_cast %swap3A_166 : vector<16xi32> to vector<16xi32>
      %swap3A_168 = vector.shape_cast %select_n3A_164 : vector<16xi32> to vector<16xi32>
      tpu.vector_store %arg6[%swap3A_165], %swap3A_168 {strides = array<i32>} : memref<25088xi32, #tpu.memory_space<vmem>>, vector<16xi32>,
      %mul3A_169 = arith.constant 128 : i32
      %mul3A_170 = arith.muli %scan3A_109, %mul3A_169 : i32
      %add3A_171 = arith.constant 48 : i32
      %add3A_172 = arith.addi %mul3A_170, %add3A_171 : i32
      %get3A_173 = arith.index_cast %add3A_172 : i32 to index
      %get3A_174 = tpu.vector_load %arg6[%get3A_173] {strides = array<i32>} : memref<25088xi32, #tpu.memory_space<vmem>>, vector<16xi32>,
      %get3A_175 = vector.shape_cast %get3A_174 : vector<16xi32> to vector<16xi32>
      %sub3A_176 = vector.broadcast %mul3A_0 : i32 to vector<16xi32>
      %sub3A_177 = arith.subi %get3A_175, %sub3A_176 : vector<16xi32>
      %ge3A_178 = arith.constant 0 : i32
      %ge3A_179 = vector.broadcast %ge3A_178 : i32 to vector<16xi32>
      %ge3A_180 = arith.cmpi sge, %sub3A_177, %ge3A_179 : vector<16xi32>
      %lt3A_181 = arith.constant 500000 : i32
      %lt3A_182 = vector.broadcast %lt3A_181 : i32 to vector<16xi32>
      %lt3A_183 = arith.cmpi slt, %sub3A_177, %lt3A_182 : vector<16xi32>
      %and3A_184 = arith.andi %ge3A_180, %lt3A_183 : vector<16xi1>
      %broadcast_in_dim3A_185 = vector.broadcast %add3A_3 : i32 to vector<16xi32>
      %select_n3A_186 = arith.select %and3A_184, %sub3A_177, %broadcast_in_dim3A_185 : vector<16xi1>, vector<16xi32>
      %swap3A_187 = arith.index_cast %add3A_172 : i32 to index
      %swap3A_188 = tpu.vector_load %arg6[%swap3A_187] {strides = array<i32>} : memref<25088xi32, #tpu.memory_space<vmem>>, vector<16xi32>,
      %swap3A_189 = vector.shape_cast %swap3A_188 : vector<16xi32> to vector<16xi32>
      %swap3A_190 = vector.shape_cast %select_n3A_186 : vector<16xi32> to vector<16xi32>
      tpu.vector_store %arg6[%swap3A_187], %swap3A_190 {strides = array<i32>} : memref<25088xi32, #tpu.memory_space<vmem>>, vector<16xi32>,
      %mul3A_191 = arith.constant 128 : i32
      %mul3A_192 = arith.muli %scan3A_109, %mul3A_191 : i32
      %add3A_193 = arith.constant 64 : i32
      %add3A_194 = arith.addi %mul3A_192, %add3A_193 : i32
      %get3A_195 = arith.index_cast %add3A_194 : i32 to index
      %get3A_196 = tpu.vector_load %arg6[%get3A_195] {strides = array<i32>} : memref<25088xi32, #tpu.memory_space<vmem>>, vector<16xi32>,
      %get3A_197 = vector.shape_cast %get3A_196 : vector<16xi32> to vector<16xi32>
      %sub3A_198 = vector.broadcast %mul3A_0 : i32 to vector<16xi32>
      %sub3A_199 = arith.subi %get3A_197, %sub3A_198 : vector<16xi32>
      %ge3A_200 = arith.constant 0 : i32
      %ge3A_201 = vector.broadcast %ge3A_200 : i32 to vector<16xi32>
      %ge3A_202 = arith.cmpi sge, %sub3A_199, %ge3A_201 : vector<16xi32>
      %lt3A_203 = arith.constant 500000 : i32
      %lt3A_204 = vector.broadcast %lt3A_203 : i32 to vector<16xi32>
      %lt3A_205 = arith.cmpi slt, %sub3A_199, %lt3A_204 : vector<16xi32>
      %and3A_206 = arith.andi %ge3A_202, %lt3A_205 : vector<16xi1>
      %broadcast_in_dim3A_207 = vector.broadcast %add3A_3 : i32 to vector<16xi32>
      %select_n3A_208 = arith.select %and3A_206, %sub3A_199, %broadcast_in_dim3A_207 : vector<16xi1>, vector<16xi32>
      %swap3A_209 = arith.index_cast %add3A_194 : i32 to index
      %swap3A_210 = tpu.vector_load %arg6[%swap3A_209] {strides = array<i32>} : memref<25088xi32, #tpu.memory_space<vmem>>, vector<16xi32>,
      %swap3A_211 = vector.shape_cast %swap3A_210 : vector<16xi32> to vector<16xi32>
      %swap3A_212 = vector.shape_cast %select_n3A_208 : vector<16xi32> to vector<16xi32>
      tpu.vector_store %arg6[%swap3A_209], %swap3A_212 {strides = array<i32>} : memref<25088xi32, #tpu.memory_space<vmem>>, vector<16xi32>,
      %mul3A_213 = arith.constant 128 : i32
      %mul3A_214 = arith.muli %scan3A_109, %mul3A_213 : i32
      %add3A_215 = arith.constant 80 : i32
      %add3A_216 = arith.addi %mul3A_214, %add3A_215 : i32
      %get3A_217 = arith.index_cast %add3A_216 : i32 to index
      %get3A_218 = tpu.vector_load %arg6[%get3A_217] {strides = array<i32>} : memref<25088xi32, #tpu.memory_space<vmem>>, vector<16xi32>,
      %get3A_219 = vector.shape_cast %get3A_218 : vector<16xi32> to vector<16xi32>
      %sub3A_220 = vector.broadcast %mul3A_0 : i32 to vector<16xi32>
      %sub3A_221 = arith.subi %get3A_219, %sub3A_220 : vector<16xi32>
      %ge3A_222 = arith.constant 0 : i32
      %ge3A_223 = vector.broadcast %ge3A_222 : i32 to vector<16xi32>
      %ge3A_224 = arith.cmpi sge, %sub3A_221, %ge3A_223 : vector<16xi32>
      %lt3A_225 = arith.constant 500000 : i32
      %lt3A_226 = vector.broadcast %lt3A_225 : i32 to vector<16xi32>
      %lt3A_227 = arith.cmpi slt, %sub3A_221, %lt3A_226 : vector<16xi32>
      %and3A_228 = arith.andi %ge3A_224, %lt3A_227 : vector<16xi1>
      %broadcast_in_dim3A_229 = vector.broadcast %add3A_3 : i32 to vector<16xi32>
      %select_n3A_230 = arith.select %and3A_228, %sub3A_221, %broadcast_in_dim3A_229 : vector<16xi1>, vector<16xi32>
      %swap3A_231 = arith.index_cast %add3A_216 : i32 to index
      %swap3A_232 = tpu.vector_load %arg6[%swap3A_231] {strides = array<i32>} : memref<25088xi32, #tpu.memory_space<vmem>>, vector<16xi32>,
      %swap3A_233 = vector.shape_cast %swap3A_232 : vector<16xi32> to vector<16xi32>
      %swap3A_234 = vector.shape_cast %select_n3A_230 : vector<16xi32> to vector<16xi32>
      tpu.vector_store %arg6[%swap3A_231], %swap3A_234 {strides = array<i32>} : memref<25088xi32, #tpu.memory_space<vmem>>, vector<16xi32>,
      %mul3A_235 = arith.constant 128 : i32
      %mul3A_236 = arith.muli %scan3A_109, %mul3A_235 : i32
      %add3A_237 = arith.constant 96 : i32
      %add3A_238 = arith.addi %mul3A_236, %add3A_237 : i32
      %get3A_239 = arith.index_cast %add3A_238 : i32 to index
      %get3A_240 = tpu.vector_load %arg6[%get3A_239] {strides = array<i32>} : memref<25088xi32, #tpu.memory_space<vmem>>, vector<16xi32>,
      %get3A_241 = vector.shape_cast %get3A_240 : vector<16xi32> to vector<16xi32>
      %sub3A_242 = vector.broadcast %mul3A_0 : i32 to vector<16xi32>
      %sub3A_243 = arith.subi %get3A_241, %sub3A_242 : vector<16xi32>
      %ge3A_244 = arith.constant 0 : i32
      %ge3A_245 = vector.broadcast %ge3A_244 : i32 to vector<16xi32>
      %ge3A_246 = arith.cmpi sge, %sub3A_243, %ge3A_245 : vector<16xi32>
      %lt3A_247 = arith.constant 500000 : i32
      %lt3A_248 = vector.broadcast %lt3A_247 : i32 to vector<16xi32>
      %lt3A_249 = arith.cmpi slt, %sub3A_243, %lt3A_248 : vector<16xi32>
      %and3A_250 = arith.andi %ge3A_246, %lt3A_249 : vector<16xi1>
      %broadcast_in_dim3A_251 = vector.broadcast %add3A_3 : i32 to vector<16xi32>
      %select_n3A_252 = arith.select %and3A_250, %sub3A_243, %broadcast_in_dim3A_251 : vector<16xi1>, vector<16xi32>
      %swap3A_253 = arith.index_cast %add3A_238 : i32 to index
      %swap3A_254 = tpu.vector_load %arg6[%swap3A_253] {strides = array<i32>} : memref<25088xi32, #tpu.memory_space<vmem>>, vector<16xi32>,
      %swap3A_255 = vector.shape_cast %swap3A_254 : vector<16xi32> to vector<16xi32>
      %swap3A_256 = vector.shape_cast %select_n3A_252 : vector<16xi32> to vector<16xi32>
      tpu.vector_store %arg6[%swap3A_253], %swap3A_256 {strides = array<i32>} : memref<25088xi32, #tpu.memory_space<vmem>>, vector<16xi32>,
      %mul3A_257 = arith.constant 128 : i32
      %mul3A_258 = arith.muli %scan3A_109, %mul3A_257 : i32
      %add3A_259 = arith.constant 112 : i32
      %add3A_260 = arith.addi %mul3A_258, %add3A_259 : i32
      %get3A_261 = arith.index_cast %add3A_260 : i32 to index
      %get3A_262 = tpu.vector_load %arg6[%get3A_261] {strides = array<i32>} : memref<25088xi32, #tpu.memory_space<vmem>>, vector<16xi32>,
      %get3A_263 = vector.shape_cast %get3A_262 : vector<16xi32> to vector<16xi32>
      %sub3A_264 = vector.broadcast %mul3A_0 : i32 to vector<16xi32>
      %sub3A_265 = arith.subi %get3A_263, %sub3A_264 : vector<16xi32>
      %ge3A_266 = arith.constant 0 : i32
      %ge3A_267 = vector.broadcast %ge3A_266 : i32 to vector<16xi32>
      %ge3A_268 = arith.cmpi sge, %sub3A_265, %ge3A_267 : vector<16xi32>
      %lt3A_269 = arith.constant 500000 : i32
      %lt3A_270 = vector.broadcast %lt3A_269 : i32 to vector<16xi32>
      %lt3A_271 = arith.cmpi slt, %sub3A_265, %lt3A_270 : vector<16xi32>
      %and3A_272 = arith.andi %ge3A_268, %lt3A_271 : vector<16xi1>
      %broadcast_in_dim3A_273 = vector.broadcast %add3A_3 : i32 to vector<16xi32>
      %select_n3A_274 = arith.select %and3A_272, %sub3A_265, %broadcast_in_dim3A_273 : vector<16xi1>, vector<16xi32>
      %swap3A_275 = arith.index_cast %add3A_260 : i32 to index
      %swap3A_276 = tpu.vector_load %arg6[%swap3A_275] {strides = array<i32>} : memref<25088xi32, #tpu.memory_space<vmem>>, vector<16xi32>,
      %swap3A_277 = vector.shape_cast %swap3A_276 : vector<16xi32> to vector<16xi32>
      %swap3A_278 = vector.shape_cast %select_n3A_274 : vector<16xi32> to vector<16xi32>
      tpu.vector_store %arg6[%swap3A_275], %swap3A_278 {strides = array<i32>} : memref<25088xi32, #tpu.memory_space<vmem>>, vector<16xi32>,
      %scan3A_279 = arith.constant 0 : i32
      scf.yield %scan3A_279 : i32
    }
    %scan3A_89 = arith.constant 196 : i32
    %barrier3A = arith.constant 0 : index
    tpu.barrier barrier_id(%barrier3A)
    %dma_start3A_90 = arith.constant 0 : i32
    %dma_start3A_91 = tpu.memref_slice %arg9[%dma_start3A_90] : memref<500224xf32, #tpu.memory_space<vmem_shared>> -> memref<500224xf32, #tpu.memory_space<vmem_shared>>
    tpu.enqueue_indirect_dma source(%dma_start3A_91 : memref<500224xf32, #tpu.memory_space<vmem_shared>>) target(%arg7 : memref<25088xf32, #tpu.memory_space<vmem>>) offsets(%arg6 : memref<25088xi32, #tpu.memory_space<vmem>>) semaphore(%arg12 : memref<!tpu.dma_semaphore, #tpu.memory_space<semaphore_mem>>)
    %dma_wait3A_92 = arith.constant 0 : i32
    %dma_wait3A_93 = tpu.memref_slice %arg9[%dma_wait3A_92] : memref<500224xf32, #tpu.memory_space<vmem_shared>> -> memref<500224xf32, #tpu.memory_space<vmem_shared>>
    tpu.wait_indirect_dma semaphore(%arg12 : memref<!tpu.dma_semaphore, #tpu.memory_space<semaphore_mem>>) src(%dma_wait3A_93 : memref<500224xf32, #tpu.memory_space<vmem_shared>>) dst(%arg7 : memref<25088xf32, #tpu.memory_space<vmem>>)
    "tpu.region"() ({
      %run_scoped3A = tpu.sem_alloc : memref<!tpu.dma_semaphore, #tpu.memory_space<semaphore_mem>>
      %dma_start3A_109 = arith.constant 0 : i32
      %dma_start3A_110 = tpu.memref_slice %arg10[%dma_start3A_109] : memref<500224xf32, #tpu.memory_space<vmem_shared>> -> memref<500224xf32, #tpu.memory_space<vmem_shared>>
      tpu.enqueue_indirect_dma source(%arg7 : memref<25088xf32, #tpu.memory_space<vmem>>) target(%dma_start3A_110 : memref<500224xf32, #tpu.memory_space<vmem_shared>>) offsets(%arg6 : memref<25088xi32, #tpu.memory_space<vmem>>) semaphore(%run_scoped3A : memref<!tpu.dma_semaphore, #tpu.memory_space<semaphore_mem>>)
      %dma_wait3A_111 = arith.constant 0 : i32
      %dma_wait3A_112 = tpu.memref_slice %arg10[%dma_wait3A_111] : memref<500224xf32, #tpu.memory_space<vmem_shared>> -> memref<500224xf32, #tpu.memory_space<vmem_shared>>
      tpu.wait_indirect_dma semaphore(%run_scoped3A : memref<!tpu.dma_semaphore, #tpu.memory_space<semaphore_mem>>) src(%arg7 : memref<25088xf32, #tpu.memory_space<vmem>>) dst(%dma_wait3A_112 : memref<500224xf32, #tpu.memory_space<vmem_shared>>)
      tpu.yield
    }) : () -> ()
    %barrier3A_94 = arith.constant 0 : index
    tpu.barrier barrier_id(%barrier3A_94)
    %mul3A_95 = arith.constant 31264 : i32
    %mul3A_96 = arith.muli %arg1, %mul3A_95 : i32
    %min3A_97 = arith.constant 468736 : i32
    %min3A_98 = arith.minsi %mul3A_96, %min3A_97 : i32
    %add3A_99 = arith.constant 0 : i32
    %add3A_100 = arith.addi %min3A_98, %add3A_99 : i32
    "tpu.region"() ({
      %run_scoped3A = tpu.sem_alloc : memref<!tpu.dma_semaphore, #tpu.memory_space<semaphore_mem>>
      %dma_start3A_109 = tpu.memref_slice %arg10[%add3A_100] : memref<500224xf32, #tpu.memory_space<vmem_shared>> -> memref<15632xf32, #tpu.memory_space<vmem_shared>>
      %dma_start3A_110 = tpu.memref_slice %arg10[%add3A_100] : memref<500224xf32, #tpu.memory_space<vmem_shared>> -> memref<15632xf32, #tpu.memory_space<vmem_shared>>
      tpu.enqueue_dma source(%dma_start3A_110 : memref<15632xf32, #tpu.memory_space<vmem_shared>>) target(%arg8 : memref<15632xf32, #tpu.memory_space<vmem>>) target_semaphore(%run_scoped3A : memref<!tpu.dma_semaphore, #tpu.memory_space<semaphore_mem>>)
      %dma_wait3A_111 = tpu.memref_slice %arg10[%add3A_100] : memref<500224xf32, #tpu.memory_space<vmem_shared>> -> memref<15632xf32, #tpu.memory_space<vmem_shared>>
      %dma_wait3A_112 = tpu.memref_slice %arg10[%add3A_100] : memref<500224xf32, #tpu.memory_space<vmem_shared>> -> memref<15632xf32, #tpu.memory_space<vmem_shared>>
      tpu.wait_dma2 semaphore(%run_scoped3A : memref<!tpu.dma_semaphore, #tpu.memory_space<semaphore_mem>>) src(%dma_wait3A_112 : memref<15632xf32, #tpu.memory_space<vmem_shared>>) dst(%arg8 : memref<15632xf32, #tpu.memory_space<vmem>>)
      tpu.yield
    }) : () -> ()
    %add3A_101 = arith.addi %mul3A_0, %min3A_98 : i32
    %add3A_102 = arith.constant 0 : i32
    %add3A_103 = arith.addi %add3A_101, %add3A_102 : i32
    "tpu.region"() ({
      %run_scoped3A = tpu.sem_alloc : memref<!tpu.dma_semaphore, #tpu.memory_space<semaphore_mem>>
      %dma_start3A_109 = tpu.memref_slice %arg5[%add3A_103] : memref<1000000xf32, #tpu.memory_space<hbm>> -> memref<15632xf32, #tpu.memory_space<hbm>>
      %dma_start3A_110 = tpu.memref_slice %arg5[%add3A_103] : memref<1000000xf32, #tpu.memory_space<hbm>> -> memref<15632xf32, #tpu.memory_space<hbm>>
      tpu.enqueue_dma source(%arg8 : memref<15632xf32, #tpu.memory_space<vmem>>) target(%dma_start3A_110 : memref<15632xf32, #tpu.memory_space<hbm>>) target_semaphore(%run_scoped3A : memref<!tpu.dma_semaphore, #tpu.memory_space<semaphore_mem>>)
      %dma_wait3A_111 = tpu.memref_slice %arg5[%add3A_103] : memref<1000000xf32, #tpu.memory_space<hbm>> -> memref<15632xf32, #tpu.memory_space<hbm>>
      %dma_wait3A_112 = tpu.memref_slice %arg5[%add3A_103] : memref<1000000xf32, #tpu.memory_space<hbm>> -> memref<15632xf32, #tpu.memory_space<hbm>>
      tpu.wait_dma2 semaphore(%run_scoped3A : memref<!tpu.dma_semaphore, #tpu.memory_space<semaphore_mem>>) src(%arg8 : memref<15632xf32, #tpu.memory_space<vmem>>) dst(%dma_wait3A_112 : memref<15632xf32, #tpu.memory_space<hbm>>)
      tpu.yield
    }) : () -> ()
    %add3A_104 = arith.constant 15632 : i32
    %add3A_105 = arith.addi %min3A_98, %add3A_104 : i32
    "tpu.region"() ({
      %run_scoped3A = tpu.sem_alloc : memref<!tpu.dma_semaphore, #tpu.memory_space<semaphore_mem>>
      %dma_start3A_109 = tpu.memref_slice %arg10[%add3A_105] : memref<500224xf32, #tpu.memory_space<vmem_shared>> -> memref<15632xf32, #tpu.memory_space<vmem_shared>>
      %dma_start3A_110 = tpu.memref_slice %arg10[%add3A_105] : memref<500224xf32, #tpu.memory_space<vmem_shared>> -> memref<15632xf32, #tpu.memory_space<vmem_shared>>
      tpu.enqueue_dma source(%dma_start3A_110 : memref<15632xf32, #tpu.memory_space<vmem_shared>>) target(%arg8 : memref<15632xf32, #tpu.memory_space<vmem>>) target_semaphore(%run_scoped3A : memref<!tpu.dma_semaphore, #tpu.memory_space<semaphore_mem>>)
      %dma_wait3A_111 = tpu.memref_slice %arg10[%add3A_105] : memref<500224xf32, #tpu.memory_space<vmem_shared>> -> memref<15632xf32, #tpu.memory_space<vmem_shared>>
      %dma_wait3A_112 = tpu.memref_slice %arg10[%add3A_105] : memref<500224xf32, #tpu.memory_space<vmem_shared>> -> memref<15632xf32, #tpu.memory_space<vmem_shared>>
      tpu.wait_dma2 semaphore(%run_scoped3A : memref<!tpu.dma_semaphore, #tpu.memory_space<semaphore_mem>>) src(%dma_wait3A_112 : memref<15632xf32, #tpu.memory_space<vmem_shared>>) dst(%arg8 : memref<15632xf32, #tpu.memory_space<vmem>>)
      tpu.yield
    }) : () -> ()
    %add3A_106 = arith.addi %mul3A_0, %min3A_98 : i32
    %add3A_107 = arith.constant 15632 : i32
    %add3A_108 = arith.addi %add3A_106, %add3A_107 : i32
    "tpu.region"() ({
      %run_scoped3A = tpu.sem_alloc : memref<!tpu.dma_semaphore, #tpu.memory_space<semaphore_mem>>
      %dma_start3A_109 = tpu.memref_slice %arg5[%add3A_108] : memref<1000000xf32, #tpu.memory_space<hbm>> -> memref<15632xf32, #tpu.memory_space<hbm>>
      %dma_start3A_110 = tpu.memref_slice %arg5[%add3A_108] : memref<1000000xf32, #tpu.memory_space<hbm>> -> memref<15632xf32, #tpu.memory_space<hbm>>
      tpu.enqueue_dma source(%arg8 : memref<15632xf32, #tpu.memory_space<vmem>>) target(%dma_start3A_110 : memref<15632xf32, #tpu.memory_space<hbm>>) target_semaphore(%run_scoped3A : memref<!tpu.dma_semaphore, #tpu.memory_space<semaphore_mem>>)
      %dma_wait3A_111 = tpu.memref_slice %arg5[%add3A_108] : memref<1000000xf32, #tpu.memory_space<hbm>> -> memref<15632xf32, #tpu.memory_space<hbm>>
      %dma_wait3A_112 = tpu.memref_slice %arg5[%add3A_108] : memref<1000000xf32, #tpu.memory_space<hbm>> -> memref<15632xf32, #tpu.memory_space<hbm>>
      tpu.wait_dma2 semaphore(%run_scoped3A : memref<!tpu.dma_semaphore, #tpu.memory_space<semaphore_mem>>) src(%arg8 : memref<15632xf32, #tpu.memory_space<vmem>>) dst(%dma_wait3A_112 : memref<15632xf32, #tpu.memory_space<hbm>>)
      tpu.yield
    }) : () -> ()
    return
  }
}

</mosaic_0001>

<sc_bundles>
// kernel: kernel.3.cloned.1.call-start
scs
__scs_entry_jumppad:
0x0: {  	(pc) =	sbr.rel $0x88, $3  }
0x1: {  	(tag) =	ssettag $0x0;
	lr =	simm.s32 $0x1  }
0x2: {  	[smem:$0x3F9E] =	sst lr;
	_ =	strace $0xD0000000  }
0x3: {  	_ = 	snop  }
0x4: {  	_ = 	snop  }
0x5: {  	_ = 	snop  }
0x6: {  	_ = 	snop  }
0x7: {  	_ = 	snop  }
__scs_overlays_trampoline_lowered:
0x8: {  	[smem:$0x3FAD] =	sst s0  }
0x9: {  	[smem:$0x3FAE] =	sst s1  }
0xa: {  	[smem:$0x3FAF] =	sst s2  }
0xb: {  	[smem:$0x3FB0] =	sst s3  }
0xc: {  	[smem:$0x3FB1] =	sst s4  }
0xd: {  	[smem:$0x3FB2] =	sst s5  }
0xe: {  	[smem:$0x3FB3] =	sst s6  }
0xf: {  	[smem:$0x3FB4] =	sst s7  }
0x10: {  	[smem:$0x3FB5] =	sst s8  }
0x11: {  	[smem:$0x3FB6] =	sst s9;
	s0 =	simm.s32 @!p0 $0x0  }
0x12: {  	s1 =	sld [smem:$0x3F9C];
	s0 =	simm.s32 @p0 $0x1  }
0x13: {  	[smem:$0x3FB7] =	sst s0;
	s0 =	simm.s32 @!p1 $0x0  }
0x14: {  	s2 =	sld [smem:$0x3F9B];
	s0 =	simm.s32 @p1 $0x1  }
0x15: {  	[smem:$0x3FB8] =	sst s0;
	s0 =	simm.s32 @!p2 $0x0  }
0x16: {  	s3 =	sld [smem:$0x3FDB];
	s0 =	simm.s32 @p2 $0x1  }
0x17: {  	s4 =	simm.s32 $0x1BF5;
	[smem:$0x3FBA] =	sst s0  }
0x18: {  	s0 =	sld [smem:$0x3F9D];
	_ =	swait.ge [sflag:s4], $0x0  }
0x19: {  	s7 =	sld [smem:$0x3F9E]  }
0x1a: {  	s8 =	sadd.s32 $0xFFFFE003, lr  }
0x1b: {  	s9 =	sadd.s32 $0xFFFFFEF7, lr;
	s5 =	simm.s32 $0xFFFFFFFF;
	p2 =	slt.u32 s8, $0xFFFFF086  }
0x1c: {  	p1 =	slt.u32 s9, $0xF7A;
	s5 =	simm.s32 @!p2 $0x0  }
0x1d: {  	s5 =	simm.s32 @p1 $0x1;
	p0 =	seq.s32 s7, s2  }
0x1e: {  	s7 =	smul.u32 @!p0 $0xF7A, s2;
	p2 =	seq.s32 @!p0 s5, $0x0  }
0x1f: {  	s9 =	smul.u32 $0xF7A, s1;
	s8 =	simm.s32 @!p0 $0x1BF5;
	p2 =	por !p2, p0  }
0x20: {  	[sflag:s8] =	ssyncset.s32 @!p0 $0xFFFFF086;
	s6 =	sadd.s32 @!p0 s3, s7;
	s7 =	simm.s32 @!p0 $0x108  }
0x21: {  	s3 =	sadd.s32 s3, s9;
	s6 =	sadd.s32 @!p0 $0x88, s6;
	s7 =	simm.s32 @p2 $0x1082  }
0x22: {  	[simem:s7], [sflag:s8] =	dma.local @!p0 [hbm:s6], $0xF7A  }
0x23: {  	s9 =	sor.u32 $0xD0000000, s2;
	s6 =	simm.s32 $0x108;
	_ =	swait.ge @!p0 [sflag:s8], $0x0  }
0x24: {  	s3 =	sadd.s32 $0x88, s3;
	s6 =	simm.s32 @!p1 $0x1082;
	[sflag:s4] =	ssyncset.s32 $0xFFFFF086  }
0x25: {  	[simem:s6], [sflag:s4] =	dma.local [hbm:s3], $0xF7A  }
0x26: {  	[smem:$0x3F9E] =	sst s1;
	(tag) =	ssettag s2;
	_ =	strace s9  }
0x27: {  	s1 =	sld [smem:$0x3FAE]  }
0x28: {  	s2 =	sld [smem:$0x3FAF]  }
0x29: {  	s4 =	sld [smem:$0x3FB1]  }
0x2a: {  	p0 =	seq.s32 s5, $0x0;
	s5 =	sld [smem:$0x3FB2]  }
0x2b: {  	s6 =	sld [smem:$0x3FB3]  }
0x2c: {  	s7 =	sld [smem:$0x3FB4]  }
0x2d: {  	s3 =	simm.s32 $0x108;
	s8 =	sld [smem:$0x3FB5]  }
0x2e: {  	s3 =	simm.s32 @!p0 $0x1082;
	s9 =	sld [smem:$0x3FB6]  }
0x2f: {  	lr =	sadd.s32 s0, s3;
	s0 =	sld [smem:$0x3FAD]  }
0x30: {  	s3 =	sld [smem:$0x3FB0]  }
0x31: {  	[smem:$0x3FB9] =	sst s10  }
0x32: {  	s10 =	sld [smem:$0x3FB7];
	_ =	sdelay $0x3  }
0x33: {  	p0 =	seq.s32 s10, $0x1;
	s10 =	sld [smem:$0x3FB9];
	_ =	sdelay $0x3  }
0x34: {  	[smem:$0x3FB9] =	sst s10  }
0x35: {  	s10 =	sld [smem:$0x3FB8];
	_ =	sdelay $0x3  }
0x36: {  	p1 =	seq.s32 s10, $0x1;
	s10 =	sld [smem:$0x3FB9];
	_ =	sdelay $0x3  }
0x37: {  	[smem:$0x3FB9] =	sst s10  }
0x38: {  	s10 =	sld [smem:$0x3FBA]  }
0x39: {  	_ = 	snop;
	(pc) =	sbr.ind lr, $3  }
0x3a: {  	_ = 	snop  }
0x3b: {  	_ = 	snop  }
0x3c: {  	p2 =	seq.s32 s10, $0x1;
	s10 =	sld [smem:$0x3FB9]  }
0x3d: {  	_ =	shalt  }
0x3e: {  	_ =	shalt  }
0x3f: {  	_ =	shalt  }
0x40: {  	_ =	shalt  }
0x41: {  	_ =	shalt  }
0x42: {  	_ =	shalt  }
0x43: {  	_ =	shalt  }
0x44: {  	_ =	shalt  }
0x45: {  	_ =	shalt  }
0x46: {  	_ =	shalt  }
0x47: {  	_ =	shalt  }
0x48: {  	_ =	shalt  }
0x49: {  	_ =	shalt  }
0x4a: {  	_ =	shalt  }
0x4b: {  	_ =	shalt  }
0x4c: {  	_ =	shalt  }
0x4d: {  	_ =	shalt  }
0x4e: {  	_ =	shalt  }
0x4f: {  	_ =	shalt  }
0x50: {  	_ =	shalt  }
0x51: {  	_ =	shalt  }
0x52: {  	_ =	shalt  }
0x53: {  	_ =	shalt  }
0x54: {  	_ =	shalt  }
0x55: {  	_ =	shalt  }
0x56: {  	_ =	shalt  }
0x57: {  	_ =	shalt  }
0x58: {  	_ =	shalt  }
0x59: {  	_ =	shalt  }
0x5a: {  	_ =	shalt  }
0x5b: {  	_ =	shalt  }
0x5c: {  	_ =	shalt  }
0x5d: {  	_ =	shalt  }
0x5e: {  	_ =	shalt  }
0x5f: {  	_ =	shalt  }
0x60: {  	_ =	shalt  }
0x61: {  	_ =	shalt  }
0x62: {  	_ =	shalt  }
0x63: {  	_ =	shalt  }
0x64: {  	_ =	shalt  }
0x65: {  	_ =	shalt  }
0x66: {  	_ =	shalt  }
0x67: {  	_ =	shalt  }
0x68: {  	_ =	shalt  }
0x69: {  	_ =	shalt  }
0x6a: {  	_ =	shalt  }
0x6b: {  	_ =	shalt  }
0x6c: {  	_ =	shalt  }
0x6d: {  	_ =	shalt  }
0x6e: {  	_ =	shalt  }
0x6f: {  	_ =	shalt  }
0x70: {  	_ =	shalt  }
0x71: {  	_ =	shalt  }
0x72: {  	_ =	shalt  }
0x73: {  	_ =	shalt  }
0x74: {  	_ =	shalt  }
0x75: {  	_ =	shalt  }
0x76: {  	_ =	shalt  }
0x77: {  	_ =	shalt  }
0x78: {  	_ =	shalt  }
0x79: {  	_ =	shalt  }
0x7a: {  	_ =	shalt  }
0x7b: {  	_ =	shalt  }
0x7c: {  	_ =	shalt  }
0x7d: {  	_ =	shalt  }
0x7e: {  	_ =	shalt  }
0x7f: {  	_ =	shalt  }
0x80: {  	_ =	shalt  }
0x81: {  	_ =	shalt  }
0x82: {  	_ =	shalt  }
0x83: {  	_ =	shalt  }
0x84: {  	_ =	shalt  }
0x85: {  	_ =	shalt  }
0x86: {  	_ =	shalt  }
0x87: {  	_ =	shalt  }
.Lfunc_end0:
.L_simem_size_0:
called_computation_lowered:
.L_overlay_start_0:
0x88: {  	s2 =	sld [smem:$0x3FD9]  }
0x89: {  	s3 =	sld [smem:$0x3FFE];
	_ =	sdelay $0x1  }
0x8a: {  	s1 =	srdreg.scid  }
0x8b: {  	s0 =	sand.u32 $0x1, s1  }
0x8c: {  	s17 =	sshll.u32 s0, $0xA;
	s2 =	sadd.s32 s3, s2  }
0x8d: {  	s2 =	sadd.s32 s2, s17  }
0x8e: {  	[smem:$0x3FC5] =	sst s2  }
0x8f: {  	_ = 	snop  }
0x90: {  	s2 =	sld [smem:$0x3FC9]  }
0x91: {  	s18 =	sld [smem:$0x3FC8]  }
0x92: {  	s4 =	sld [smem:$0x3FD0];
	(tm) =	ssettm $0x1  }
0x93: {  	s5 =	sld [smem:$0x3FFB];
	_ =	sdelay $0x3  }
0x94: {  	_ =	strace s5  }
0x95: {  	s5 =	sld [smem:$0x3FFC];
	_ =	sdelay $0x3  }
0x96: {  	_ =	strace s5  }
0x97: {  	s5 =	sld [smem:$0x3FFD];
	_ =	sdelay $0x3  }
0x98: {  	_ =	strace s5  }
0x99: {  	_ =	strace $0x8FFFFFFF  }
0x9a: {  	s19 =	sld [smem:$0x3FDB];
	_ =	sdelay $0x1  }
0x9b: {  	s6 =	simm.s32 $_scs_section_size  }
0x9c: {  	s7 =	simm.s32 $_size__tile_overlayer_lowered;
	s8 =	simm.s32 $_tile_overlayer_lowered  }
0x9d: {  	s22 =	simm.s32 $0x1BFF;
	s21 =	sshll.u32 s8, $0x1;
	s5 =	sadd.s32 s6, s19  }
0x9e: {  	s9 =	simm.s32 $0x0;
	s20 =	sshll.u32 s7, $0x1;
	s7 =	sadd.s32 s21, s5  }
0x9f: {  	[timem:s9], [sflag:s22] =	dma.local [hbm:s7], s20  }
0xa0: {  	_ =	swait.ge [sflag:s22], s20  }
0xa1: {  	s6 =	ssub.s32 $0x0, s20;
	[sflag:s22] =	ssyncset.done $0x0  }
0xa2: {  	[sflag:s22] =	ssyncadd.s32 s6;
	_ =	sdelay $0x1  }
0xa3: {  	s23 =	simm.s32 $0x1B8B  }
0xa4: {  	_ =	swait.ge [sflag:s23], $0x1  }
0xa5: {  	[sflag:s23] =	ssyncset.done $0x0  }
0xa6: {  	s25 =	simm.s32 $0x1B8E;
	s24 =	sld [smem:$0x3FFE];
	[sflag:s23] =	ssyncadd.s32 $0xFFFFFFFF  }
0xa7: {  	s26 =	simm.s32 $execute0_lowered;
	[smem:$0x3FD2] =	sst s25  }
0xa8: {  	s7 =	sshll.u32 s26, $0x1;
	_ =	strace $0x80000046;
	[dreg:$0x1] =	wrdreg $0xFFFFFFFF  }
0xa9: {  	s28 =	simm.s32 $_size_execute0_lowered;
	s5 =	sadd.s32 s5, s7;
	[dreg:$0x0] =	wrdreg $0x0  }
0xaa: {  	s7 =	sshll.u32 s28, $0x1;
	[dreg:$0x2] =	wrdreg s5  }
0xab: {  	[dreg:$0x3] =	wrdreg s7  }
0xac: {  	[dreg:$0x4] =	wrdreg $0xC0  }
0xad: {  	_ =	task [dreg:s9], $0x5FFFF  }
0xae: {  	[dreg:$0x1] =	wrdreg $0xFFFFFFFF  }
0xaf: {  	[dreg:$0x0] =	wrdreg $0x60  }
0xb0: {  	[dreg:$0x2] =	wrdreg s2  }
0xb1: {  	[dreg:$0x3] =	wrdreg s18  }
0xb2: {  	[dreg:$0x4] =	wrdreg s24  }
0xb3: {  	[dreg:$0x5] =	wrdreg s4  }
0xb4: {  	[dreg:$0x6] =	wrdreg $0x101800  }
0xb5: {  	[dreg:$0x7] =	wrdreg $0x17BA00  }
0xb6: {  	[dreg:$0x8] =	wrdreg $0x9  }
0xb7: {  	_ =	task.clear_ibuf [dreg:s9], $0x9FFFF;
	_ =	strace $0x90000046  }
0xb8: {  	s29 =	simm.s32 $0x9;
	_ =	strace $0x80000048  }
0xb9: {  	_ =	swait.ge [sflag:s29], $0x1  }
0xba: {  	[sflag:s29] =	ssyncadd.s32 $0xFFFFFFFF  }
0xbb: {  	_ =	strace $0x90000048  }
0xbc: {  	_ =	sfence  }
0xbd: {  	s30 =	sld [smem:$0x0];
	_ =	sdelay $0x2  }
0xbe: {  	s31 =	sshll.u32 s1, $0xD;
	s1 =	sshrl.u32 s1, $0x2  }
0xbf: {  	s3 =	sand.u32 $0x4000, s31;
	s1 =	sadd.s32 s1, s30  }
0xc0: {  	s0 =	sor.u32 s3, s0;
	s1 =	sshll.u32 s1, $0x11  }
0xc1: {  	s0 =	sor.u32 s1, s0  }
0xc2: {  	s0 =	sadd.s32 $0x8F2B, s0  }
0xc3: {  	[sflag:s0] =	ssyncadd.remote.s32 $0x1  }
0xc4: {  	_ =	sfence.sel $0xFFFF  }
0xc5: {  	[dreg:$0x0] =	wrdreg $0xFFFFFFFF;
	(pc) =	sbr.abs _section_cstart, $3  }
0xc6: {  	[dreg:$0x1] =	wrdreg $0xFFFFFFFF  }
0xc7: {  	_ =	task.clear_ibuf [dreg:s9], $0x2FFFF;
	_ =	strace $0x9FFFFFFF  }
0xc8: {  	(tm) =	ssettm $0x7FFFFFFF  }
0xc9: {  	_ =	shalt  }
tec
execute0_lowered:
.L_overlay_start_1:
0x0: {  	(tag) =	ssettag $0x1  }
0x1: {  	s9 =	rddreg [dreg:$0x0]  }
0x2: {  	s10 =	rddreg [dreg:$0x1]  }
0x3: {  	s5 =	rddreg [dreg:$0x2]  }
0x4: {  	s15 =	rddreg [dreg:$0x3]  }
0x5: {  	s2 =	rddreg [dreg:$0x4]  }
0x6: {  	s3 =	rddreg [dreg:$0x5]  }
0x7: {  	s0 =	rddreg [dreg:$0x6];
	s4 =	simm.s32 $0x0  }
0x8: {  	s1 =	stileid.u32;
	s8 =	srdreg.scid;
	s19 =	simm.s32 $0x80  }
0x9: {  	s20 =	simm.s32 $0x400;
	s21 =	simm.s32 $0x6200;
	s22 =	simm.s32 $0xC400  }
0xa: {  	s23 =	simm.s32 $0x2;
	s28 =	simm.s32 $0x0;
	[smem:$0x7FF] =	sst s4  }
0xb: {  	s6 =	sshrl.u32 s1, $0x3;
	s7 =	sshll.u32 s1, $0x7;
	s12 =	smul.u32 $0x7A20, s1  }
0xc: {  	s8 =	sand.u32 $0x1, s8;
	s26 =	sshll.u32 s1, $0x3;
	s6 =	smul.u32 $0x31000, s6  }
0xd: {  	_ =	strace $0x80000047;
	s7 =	sand.u32 $0x380, s7;
	s24 =	ssub.s32 $0x2, s8  }
0xe: {  	s25 =	smul.u32 $0x7A120, s8;
	s26 =	sadd.s32 $0x7A120, s26;
	s11 =	sshrl.u32 s24, $0x1  }
0xf: {  	s14 =	smin.u32 s12, $0x72700;
	s12 =	sadd.s32 s12, s3;
	v1 =	vmov s26;
	s26 =	simm.s32 $0x1  }
0x10: {  	s6 =	sor.u32 s7, s6;
	s18 =	ssub.s32 s24, s11;
	s29 =	sadd.s32 s25, s14  }
0x11: {  	s16 =	sadd.s32 $0x3D10, s14;
	s8 =	sadd.s32 s14, s2;
	s13 =	sadd.s32 $0x3D10, s12  }
0x12: {  	s14 =	sadd.s32 s14, s3;
	s24 =	simm.s32 $0x3;
	s6 =	sshrl.u32 s6, $0x3  }
0x13: {  	s17 =	sshrl.u32 s29, $0x3;
	s30 =	sadd.s32 s25, s16;
	s11 =	sadd.s32 s16, s2  }
0x14: {  	v0 =	vmov s25;
	s16 =	sadd.s32 s16, s3;
	s18 =	smax.u32 s18, $0x1;
	s25 =	simm.s32 $0x4  }
0x15: {  	s5 =	sadd.s32 s6, s5;
	s6 =	sadd.s32 s9, s17;
	s31 =	sshrl.u32 s30, $0x3  }
0x16: {  	s7 =	sadd.s32 s10, s17;
	s15 =	sadd.s32 s15, s17;
	s5 =	sadd.s32 $0x400, s5  }
0x17: {  	v2 =	vimm.f32 $0.0e+00;
	s9 =	sadd.s32 s9, s31;
	s10 =	sadd.s32 s10, s31;
	s17 =	sadd.s32 $0x7A2, s15  }
.LBB2_1:
0x18: {  	[tilespmem:s4], [sflag:$0x1] =	stream.strided.gather [hbm4b:s5+s19], $0x6200, s20, s19, $0x38;
	[tilespmem:$0x1F5C0] =	vst v63  }
0x19: {  	_ = 	snop  }
0x1a: {  	[tilespmem:s21], [sflag:$0x2] =	stream.linear.gather [hbm4b:s6+s4], $0x3D10, $0x38;
	[tilespmem:$0x1F5C0] =	vst v63  }
0x1b: {  	_ = 	snop  }
0x1c: {  	[tilespmem:s22], [sflag:$0x3] =	stream.linear.gather [hbm4b:s7+s4], $0x3D10, $0x38;
	[tilespmem:$0x1F5C0] =	vst v63  }
0x1d: {  	_ =	swait.ge [sflag:s23], $0x3D10  }
0x1e: {  	[sflag:s23] =	ssyncset.done $0x0  }
0x1f: {  	[sflag:s23] =	ssyncadd.s32 $0xFFFFC2F0  }
0x20: {  	_ =	swait.ge [sflag:s24], $0x3D10  }
0x21: {  	[sflag:s24] =	ssyncset.done $0x0  }
0x22: {  	s29 =	simm.s32 $0x0;
	[sflag:s24] =	ssyncadd.s32 $0xFFFFC2F0  }
0x23: {  	s30 =	simm.s32 $0x40;
	v3 =	vld [tilespmem:s29+$0xC400]  }
.LBB2_2:
0x24: {  	p0 =	sne.s32 s30, $0xF400;
	v4 =	vld [tilespmem:s29+$0x6200];
	_ =	sdelay $0x2  }
.Ltmp0:
0x25: {  	(pc) =	sbr.rel @p0 .LBB2_2-.Ltmp0, $4  }
0x26: {  	_ = 	snop  }
0x27: {  	v4 =	vmul.f32 v3, v4  }
0x28: {  	s31 =	sshra.s32 s30, $0x2  }
0x29: {  	s30 =	sadd.s32 $0x40, s30;
	v3 =	vld [tilespmem:s31+$0xC400];
	[tilespmem:s29+$0x6200] =	vst v4;
	s29 =	smov.u32 s31  }
0x2a: {  	v4 =	vld [tilespmem:s29+$0x6200];
	_ =	sdelay $0x4  }
0x2b: {  	v3 =	vmul.f32 v3, v4;
	_ =	sdelay $0x1  }
0x2c: {  	[tilespmem:s29+$0x6200] =	vst v3  }
0x2d: {  	[spmem:s8] =	stream.linear.scatter [tilespmem:s21], [sflag:$0x4], $0x3D10, $0x38;
	[tilespmem:$0x1F5C0] =	vst v63  }
0x2e: {  	_ =	swait.ge [sflag:s25], $0x3D10  }
0x2f: {  	[sflag:s25] =	ssyncset.done $0x0  }
0x30: {  	s29 =	simm.s32 $0x0;
	[sflag:s25] =	ssyncadd.s32 $0xFFFFC2F0  }
0x31: {  	[tilespmem:s21], [sflag:$0x2] =	stream.linear.gather [hbm4b:s9+s29], $0x3D10, $0x38;
	[tilespmem:$0x1F5C0] =	vst v63  }
0x32: {  	_ = 	snop  }
0x33: {  	[tilespmem:s22], [sflag:$0x3] =	stream.linear.gather [hbm4b:s10+s29], $0x3D10, $0x38;
	[tilespmem:$0x1F5C0] =	vst v63  }
0x34: {  	_ =	swait.ge [sflag:s23], $0x3D10  }
0x35: {  	[sflag:s23] =	ssyncset.done $0x0  }
0x36: {  	[sflag:s23] =	ssyncadd.s32 $0xFFFFC2F0  }
0x37: {  	_ =	swait.ge [sflag:s24], $0x3D10  }
0x38: {  	[sflag:s24] =	ssyncset.done $0x0  }
0x39: {  	s29 =	simm.s32 $0x0;
	[sflag:s24] =	ssyncadd.s32 $0xFFFFC2F0  }
0x3a: {  	s30 =	simm.s32 $0x40;
	v3 =	vld [tilespmem:s29+$0xC400]  }
.LBB2_4:
0x3b: {  	p0 =	sne.s32 s30, $0xF400;
	v4 =	vld [tilespmem:s29+$0x6200];
	_ =	sdelay $0x2  }
.Ltmp1:
0x3c: {  	(pc) =	sbr.rel @p0 .LBB2_4-.Ltmp1, $4  }
0x3d: {  	_ = 	snop  }
0x3e: {  	v4 =	vmul.f32 v3, v4  }
0x3f: {  	s31 =	sshra.s32 s30, $0x2  }
0x40: {  	s30 =	sadd.s32 $0x40, s30;
	v3 =	vld [tilespmem:s31+$0xC400];
	[tilespmem:s29+$0x6200] =	vst v4;
	s29 =	smov.u32 s31  }
0x41: {  	v4 =	vld [tilespmem:s29+$0x6200];
	_ =	sdelay $0x4  }
0x42: {  	v3 =	vmul.f32 v3, v4;
	_ =	sdelay $0x1  }
0x43: {  	[tilespmem:s29+$0x6200] =	vst v3  }
0x44: {  	[spmem:s11] =	stream.linear.scatter [tilespmem:s21], [sflag:$0x4], $0x3D10, $0x38;
	[tilespmem:$0x1F5C0] =	vst v63  }
0x45: {  	_ =	swait.ge [sflag:s25], $0x3D10  }
0x46: {  	[sflag:s25] =	ssyncset.done $0x0  }
0x47: {  	s30 =	simm.s32 $0x0;
	s29 =	simm.s32 $0x40;
	[sflag:s25] =	ssyncadd.s32 $0xFFFFC2F0  }
.LBB2_6:
0x48: {  	p0 =	sne.s32 s29, $0xF400;
	[tilespmem:s30+$0xC400] =	vst v2;
	s30 =	smov.u32 s29;
	s29 =	sadd.s32 $0x40, s29  }
.Ltmp2:
0x49: {  	(pc) =	sbr.rel @p0 .LBB2_6-.Ltmp2, $2  }
0x4a: {  	_ =	sdelay $0x2  }
0x4b: {  	s30 =	sshra.s32 s30, $0x2  }
0x4c: {  	[tilespmem:s30+$0xC400] =	vst v2  }
0x4d: {  	[spmem:s12] =	stream.linear.scatter [tilespmem:s22], [sflag:$0x4], $0x3D10, $0x38;
	[tilespmem:$0x1F5C0] =	vst v63  }
0x4e: {  	_ =	swait.ge [sflag:s25], $0x3D10  }
0x4f: {  	[sflag:s25] =	ssyncset.done $0x0  }
0x50: {  	[sflag:s25] =	ssyncadd.s32 $0xFFFFC2F0  }
0x51: {  	[spmem:s13] =	stream.linear.scatter [tilespmem:s22], [sflag:$0x4], $0x3D10, $0x38;
	[tilespmem:$0x1F5C0] =	vst v63  }
0x52: {  	_ =	swait.ge [sflag:s25], $0x3D10  }
0x53: {  	[sflag:s25] =	ssyncset.done $0x0  }
0x54: {  	[sflag:s25] =	ssyncadd.s32 $0xFFFFC2F0  }
0x55: {  	_ =	swait.ge [sflag:s26], $0x6200  }
0x56: {  	[sflag:s26] =	ssyncset.done $0x0  }
0x57: {  	s29 =	simm.s32 $0x0;
	[sflag:s26] =	ssyncadd.s32 $0xFFFF9E00  }
0x58: {  	v3 =	vld [tilespmem:s29+$0x0]  }
0x59: {  	v8 =	vld [tilespmem:s29+$0x10]  }
0x5a: {  	v7 =	vld [tilespmem:s29+$0x20]  }
0x5b: {  	v6 =	vld [tilespmem:s29+$0x30]  }
0x5c: {  	v5 =	vld [tilespmem:s29+$0x40]  }
0x5d: {  	v4 =	vld [tilespmem:s29+$0x50];
	v9 =	vsub.s32 v3, v0  }
0x5e: {  	s30 =	simm.s32 $0x200;
	v8 =	vsub.s32 v8, v0;
	v3 =	vld [tilespmem:s29+$0x60];
	vm0 =	vlt.u32 v9, $0x7A120  }
.LBB2_8:
0x5f: {  	p0 =	sne.s32 s30, $0x18600;
	v9 =	vsel vm0, v9, v1;
	vm0 =	vlt.u32 v8, $0x7A120;
	v7 =	vsub.s32 v7, v0;
	v10 =	vld [tilespmem:s29+$0x70]  }
0x60: {  	s31 =	sshra.s32 s30, $0x2;
	[tilespmem:s29+$0x0] =	vst v9;
	v8 =	vsel vm0, v8, v1;
	vm0 =	vlt.u32 v7, $0x7A120;
	v6 =	vsub.s32 v6, v0  }
0x61: {  	v9 =	vld [tilespmem:s31+$0x0];
	[tilespmem:s29+$0x10] =	vst v8;
	v7 =	vsel vm0, v7, v1;
	vm0 =	vlt.u32 v6, $0x7A120;
	v5 =	vsub.s32 v5, v0  }
0x62: {  	v8 =	vld [tilespmem:s31+$0x10];
	[tilespmem:s29+$0x20] =	vst v7;
	v6 =	vsel vm0, v6, v1;
	vm0 =	vlt.u32 v5, $0x7A120;
	v4 =	vsub.s32 v4, v0  }
.Ltmp3:
0x63: {  	v7 =	vld [tilespmem:s31+$0x20];
	[tilespmem:s29+$0x30] =	vst v6;
	v5 =	vsel vm0, v5, v1;
	vm0 =	vlt.u32 v4, $0x7A120;
	v3 =	vsub.s32 v3, v0;
	(pc) =	sbr.rel @p0 .LBB2_8-.Ltmp3, $4  }
0x64: {  	v6 =	vld [tilespmem:s31+$0x30];
	[tilespmem:s29+$0x40] =	vst v5;
	v4 =	vsel vm0, v4, v1;
	vm0 =	vlt.u32 v3, $0x7A120;
	v10 =	vsub.s32 v10, v0  }
0x65: {  	v5 =	vld [tilespmem:s31+$0x40];
	[tilespmem:s29+$0x50] =	vst v4;
	v3 =	vsel vm0, v3, v1;
	vm0 =	vlt.u32 v10, $0x7A120  }
0x66: {  	v9 =	vsub.s32 v9, v0;
	v4 =	vld [tilespmem:s31+$0x50];
	[tilespmem:s29+$0x60] =	vst v3;
	v10 =	vsel vm0, v10, v1  }
0x67: {  	s30 =	sadd.s32 $0x200, s30;
	vm0 =	vlt.u32 v9, $0x7A120;
	v8 =	vsub.s32 v8, v0;
	v3 =	vld [tilespmem:s31+$0x60];
	[tilespmem:s29+$0x70] =	vst v10;
	s29 =	smov.u32 s31  }
0x68: {  	v9 =	vsel vm0, v9, v1;
	vm9 =	vlt.u32 v8, $0x7A120;
	v7 =	vsub.s32 v7, v0;
	v10 =	vld [tilespmem:s29+$0x70]  }
0x69: {  	[tilespmem:s29+$0x0] =	vst v9;
	v8 =	vsel vm9, v8, v1;
	vm10 =	vlt.u32 v7, $0x7A120;
	v6 =	vsub.s32 v6, v0  }
0x6a: {  	[tilespmem:s29+$0x10] =	vst v8;
	v7 =	vsel vm10, v7, v1;
	vm11 =	vlt.u32 v6, $0x7A120;
	v5 =	vsub.s32 v5, v0  }
0x6b: {  	[tilespmem:s29+$0x20] =	vst v7;
	v6 =	vsel vm11, v6, v1;
	vm12 =	vlt.u32 v5, $0x7A120;
	v4 =	vsub.s32 v4, v0  }
0x6c: {  	[tilespmem:s29+$0x30] =	vst v6;
	v5 =	vsel vm12, v5, v1;
	vm13 =	vlt.u32 v4, $0x7A120;
	v3 =	vsub.s32 v3, v0  }
0x6d: {  	[tilespmem:s29+$0x40] =	vst v5;
	v4 =	vsel vm13, v4, v1;
	vm14 =	vlt.u32 v3, $0x7A120;
	v63 =	vsub.s32 v10, v0  }
0x6e: {  	[tilespmem:s29+$0x50] =	vst v4;
	v3 =	vsel vm14, v3, v1;
	vm15 =	vlt.u32 v63, $0x7A120  }
0x6f: {  	[tilespmem:s29+$0x60] =	vst v3;
	v3 =	vsel vm15, v63, v1  }
0x70: {  	[tilespmem:s29+$0x70] =	vst v3  }
0x71: {  	[bflag:$0x0] =	sbarrier.arrive $0xFFFF  }
0x72: {  	[tilespmem:s21], [sflag:$0x2] =	stream.indirect.gather [spmem:s2], $0x1, s4, s21, $0xb8;
	[tilespmem:$0x1F5C0] =	vst v63  }
0x73: {  	_ =	swait.ge [sflag:s23], $0x6200  }
0x74: {  	[sflag:s23] =	ssyncset.done $0x0  }
0x75: {  	[sflag:s23] =	ssyncadd.s32 $0xFFFF9E00  }
0x76: {  	[spmem:s3] =	stream.indirect.scatter [tilespmem:s21], [sflag:$0x4], $0x1, s4, s21, $0xb8;
	[tilespmem:$0x1F5C0] =	vst v63  }
0x77: {  	_ =	swait.ge [sflag:s25], $0x6200  }
0x78: {  	[sflag:s25] =	ssyncset.done $0x0  }
0x79: {  	[sflag:s25] =	ssyncadd.s32 $0xFFFF9E00  }
0x7a: {  	[bflag:$0x0] =	sbarrier.arrive $0xFFFF  }
0x7b: {  	[tilespmem:s22], [sflag:$0x4] =	stream.linear.gather [spmem:s14], $0x3D10, $0x38;
	[tilespmem:$0x1F5C0] =	vst v63  }
0x7c: {  	_ =	swait.ge [sflag:s25], $0x3D10  }
0x7d: {  	[sflag:s25] =	ssyncset.done $0x0  }
0x7e: {  	[sflag:s25] =	ssyncadd.s32 $0xFFFFC2F0  }
0x7f: {  	[hbm4b:s15+s4] =	stream.linear.scatter [tilespmem:s22], [sflag:$0x4], $0x3D10, $0x38;
	[tilespmem:$0x1F5C0] =	vst v63  }
0x80: {  	_ =	swait.ge [sflag:s25], $0x3D10  }
0x81: {  	[sflag:s25] =	ssyncset.done $0x0  }
0x82: {  	[sflag:s25] =	ssyncadd.s32 $0xFFFFC2F0  }
0x83: {  	[tilespmem:s22], [sflag:$0x4] =	stream.linear.gather [spmem:s16], $0x3D10, $0x38;
	[tilespmem:$0x1F5C0] =	vst v63  }
0x84: {  	s28 =	sadd.s32 $0x1, s28;
	_ =	swait.ge [sflag:s25], $0x3D10  }
0x85: {  	p0 =	sne.s32 s28, s18;
	[sflag:s25] =	ssyncset.done $0x0  }
.Ltmp4:
0x86: {  	[sflag:s25] =	ssyncadd.s32 $0xFFFFC2F0;
	(pc) =	sbr.rel @p0 .LBB2_1-.Ltmp4, $4  }
0x87: {  	[hbm4b:s17+s4] =	stream.linear.scatter [tilespmem:s22], [sflag:$0x4], $0x3D10, $0x38;
	[tilespmem:$0x1F5C0] =	vst v63  }
0x88: {  	_ =	swait.ge [sflag:s25], $0x3D10  }
0x89: {  	[sflag:s25] =	ssyncset.done $0x0  }
0x8a: {  	[sflag:s25] =	ssyncadd.s32 $0xFFFFC2F0  }
0x8b: {  	_ =	sfence.sel $0x180000  }
0x8c: {  	[bflag:$0x0] =	sbarrier.arrive $0xFFFF  }
0x8d: {  	p0 =	sne.s32 s1, $0x0;
	_ =	strace $0x90000047  }
0x8e: {  	s0 =	sadd.s32 @!p0 $0x100000, s0;
	[bflag:$0x2] =	sbarrier.arrive $0xFFFF  }
0x8f: {  	[sflag:s0] =	ssyncadd.tile.s32 @!p0 $0x1;
	_ =	shalt  }
.Lfunc_end2:
_tile_overlayer_lowered:
.L_overlay_start_2:
0x90: {  	(tag) =	ssettag $0x2  }
0x91: {  	s0 =	rddreg [dreg:$0x0];
	s2 =	stileid.u32  }
0x92: {  	s1 =	rddreg [dreg:$0x1];
	p0 =	sne.s32 s2, $0x0  }
0x93: {  	s3 =	rddreg [dreg:$0x2];
	[bflag:$0x3] =	sbarrier.arrive $0xFFFF;
	s2 =	simm.s32 @!p0 $0x1C04  }
0x94: {  	[timem:s3], [sflag:s2] =	dma.local @!p0 [hbm:s0], s1  }
0x95: {  	s0 =	simm.s32 @!p0 $0x4  }
0x96: {  	_ =	swait.ge @!p0 [sflag:s0], s1  }
0x97: {  	s1 =	ssub.s32 @!p0 $0x0, s1;
	[sflag:s0] =	ssyncset.done @!p0 $0x0  }
0x98: {  	[sflag:s0] =	ssyncadd.s32 @!p0 s1  }
0x99: {  	[bflag:$0x3] =	sbarrier.arrive $0xFFFF  }
0x9a: {  	_ =	shalt  }

</sc_bundles>
